<compile_context>
chip_gen: v7x
topology: tpu7x:2x2x1
jax: 0.10.2.dev20260603
libtpu: 0.0.44.dev20260713+nightly
codegen_flags: <defaults>
</compile_context>

<pallas_src>
import functools

import jax
import jax.numpy as jnp
from jax import lax
from jax.experimental import pallas as pl
from jax.experimental.pallas import tpu as pltpu
from jax.experimental.pallas import tpu_sc as plsc

HID = 128

NC = 2
NS = 16
NW = NC * NS
LANES = 16

FSPLIT = 8
ESPLIT = NW // FSPLIT
FPT = HID // FSPLIT
PAIRS = FPT // 2
STRIDE = PAIRS + 1
CHUNK = 4000
NBUF = 2


def _sc_partial_dots(zt, pos_flat, neg_flat):
  B = (pos_flat.shape[0] + neg_flat.shape[0]) // 2
  per_tile = B // ESPLIT
  n_chunks = per_tile // CHUNK
  NF = zt.shape[1] * zt.shape[2]
  mesh = plsc.VectorSubcoreMesh(core_axis_name="c", subcore_axis_name="s",
                                num_cores=NC, num_subcores=NS)

  @functools.partial(
      pl.kernel,
      out_type=jax.ShapeDtypeStruct((FSPLIT * B,), jnp.float32),
      mesh=mesh,
      compiler_params=pltpu.CompilerParams(needs_layout_passes=False,
                                           disable_bounds_checks=True),
      scratch_types=[
          pltpu.VMEM((NF,), jnp.float32),
          pltpu.VMEM((CHUNK,), jnp.int32),
          pltpu.VMEM((CHUNK,), jnp.int32),
          pltpu.VMEM((CHUNK,), jnp.int32),
          pltpu.VMEM((CHUNK,), jnp.int32),
          pltpu.VMEM((CHUNK,), jnp.float32),
          pltpu.VMEM((CHUNK,), jnp.float32),
          pltpu.SemaphoreType.DMA,
          pltpu.SemaphoreType.DMA,
          pltpu.SemaphoreType.DMA,
          pltpu.SemaphoreType.DMA,
      ],
  )
  def sc_kernel(zt_hbm, pos_hbm, neg_hbm, out_hbm, zloc,
                src0, src1, dst0, dst1, part0, part1,
                sem_i0, sem_i1, sem_w0, sem_w1):
    srcs, dsts, parts = [src0, src1], [dst0, dst1], [part0, part1]
    sem_i, sem_w = [sem_i0, sem_i1], [sem_w0, sem_w1]
    wid = lax.axis_index("s") * NC + lax.axis_index("c")
    fg = wid % FSPLIT
    q = wid // FSPLIT
    e_base = q * per_tile
    in_base = (q % 2) * per_tile
    E = B // 2
    pltpu.sync_copy(zt_hbm.at[pl.ds(fg * NF, NF)], zloc)

    def start_idx(c, b):
      off = in_base + c * CHUNK

      @pl.when(q < ESPLIT // 2)
      def _():
        pltpu.async_copy(pos_hbm.at[pl.ds(off, CHUNK)], srcs[b], sem_i[b])
        pltpu.async_copy(pos_hbm.at[pl.ds(E + off, CHUNK)], dsts[b], sem_i[b])

      @pl.when(q >= ESPLIT // 2)
      def _():
        pltpu.async_copy(neg_hbm.at[pl.ds(off, CHUNK)], srcs[b], sem_i[b])
        pltpu.async_copy(neg_hbm.at[pl.ds(E + off, CHUNK)], dsts[b], sem_i[b])

    for b in range(NBUF):
      start_idx(b, b)

    n_pairs = n_chunks // NBUF

    def pair_body(i, carry):
      for b in range(NBUF):
        c = i * NBUF + b
        off = e_base + c * CHUNK
        pltpu.make_async_copy(pos_hbm.at[pl.ds(0, CHUNK)], srcs[b],
                              sem_i[b]).wait()
        pltpu.make_async_copy(pos_hbm.at[pl.ds(0, CHUNK)], dsts[b],
                              sem_i[b]).wait()

        @pl.when(i + 1 < n_pairs)
        def _():
          start_idx(c + NBUF, b)

        @pl.when(c >= NBUF)
        def _():
          pltpu.make_async_copy(parts[b], out_hbm.at[pl.ds(0, CHUNK)],
                                sem_w[b]).wait()

        def group_body(g, carry2):
          nsrc = srcs[b][pl.ds(g * LANES, LANES)]
          ndst = dsts[b][pl.ds(g * LANES, LANES)]
          isrc = lax.shift_left(nsrc, 3) + nsrc
          idst = lax.shift_left(ndst, 3) + ndst
          acc0 = jnp.zeros((2 * LANES,), jnp.bfloat16)
          acc1 = jnp.zeros((2 * LANES,), jnp.bfloat16)
          for j in range(PAIRS):
            wa = plsc.load_gather(zloc, [isrc + j])
            wb = plsc.load_gather(zloc, [idst + j])
            pa = plsc.bitcast(wa, jnp.bfloat16)
            pb = plsc.bitcast(wb, jnp.bfloat16)
            if j % 2 == 0:
              acc0 = acc0 + pa * pb
            else:
              acc1 = acc1 + pa * pb
          acc = acc0 + acc1
          lo, hi = plsc.unpack(acc, format=plsc.PackFormat.INTERLEAVED)
          parts[b][pl.ds(g * LANES, LANES)] = lo + hi
          return carry2

        lax.fori_loop(0, CHUNK // LANES, group_body, 0)
        pltpu.async_copy(parts[b], out_hbm.at[pl.ds(fg * B + off, CHUNK)],
                         sem_w[b])
      return carry

    lax.fori_loop(0, n_pairs, pair_body, 0)
    for b in range(NBUF):
      pltpu.make_async_copy(parts[b], out_hbm.at[pl.ds(0, CHUNK)],
                            sem_w[b]).wait()

  return sc_kernel(zt.reshape(-1), pos_flat, neg_flat)


def _tc_loss_kernel(p_ref, out_ref):
  EPS = 1e-15
  j = pl.program_id(0)

  @pl.when(j == 0)
  def _():
    out_ref[0, 0] = 0.0
    out_ref[0, 1] = 0.0

  x = jnp.sum(p_ref[:, 0], axis=0)
  s = 1.0 / (1.0 + jnp.exp(-x))
  blk = jnp.where(j == 0,
                  jnp.sum(jnp.log(s + EPS)),
                  jnp.sum(jnp.log(1.0 - s + EPS)))
  idx = jnp.where(j == 0, 0, 1)
  out_ref[0, idx] += blk


def kernel(z, edge_index, neg_edge_index):
  n = z.shape[0]
  E = edge_index.shape[1]
  B = 2 * E
  pos_weight = float(n * n - 2) / 2.0
  norm = n * n / float((n * n - 2) * 2)

  pos_flat = edge_index.reshape(-1).astype(jnp.int32)
  neg_flat = neg_edge_index.reshape(-1).astype(jnp.int32)
  z_bf = z.astype(jnp.bfloat16)
  z4 = z_bf.reshape(n, FSPLIT, PAIRS, 2).transpose(1, 0, 2, 3)
  zt = jax.lax.bitcast_convert_type(z4, jnp.float32)
  zt = jnp.pad(zt, ((0, 0), (0, 0), (0, STRIDE - PAIRS)))

  parts = _sc_partial_dots(zt, pos_flat, neg_flat)

  R = E // HID
  p4d = parts.reshape(FSPLIT, 2, R, HID)
  sums = pl.pallas_call(
      _tc_loss_kernel,
      grid=(2,),
      in_specs=[pl.BlockSpec((FSPLIT, 1, R, HID), lambda j: (0, j, 0, 0))],
      out_shape=jax.ShapeDtypeStruct((1, 2), jnp.float32),
      out_specs=pl.BlockSpec(memory_space=pltpu.SMEM),
  )(p4d)

  pos_loss = -sums[0, 0] / E
  neg_loss = -sums[0, 1] / E
  return norm * (pos_loss * pos_weight + neg_loss)

# --- scband reference (transcript-rebuilt; emitter-appended) ---
"""Pipeline reference for scband-gcn-infomax-13812614824610 (READ-ONLY COPY).

The authoritative reference and input builder live on the scoring server;
editing this copy changes nothing except your own understanding.
"""

import jax, jax.numpy as jnp
import numpy as np

N_NODES = 10000
N_EDGES = 320000
HIDDEN_DIM = 128


def setup_inputs(seed: int = 0) -> dict:
    key = jax.random.key(seed)
    k1, k2, k3 = jax.random.split(key, 3)
    z = jax.random.normal(k1, (N_NODES, HIDDEN_DIM), dtype=jnp.float32)
    edge_index = jax.random.randint(k2, (2, N_EDGES), 0, N_NODES, dtype=jnp.int64)
    # negative_sampling in the original is stochastic; we materialize a fixed
    # deterministic negative edge set here so the reference is reproducible.
    neg_edge_index = jax.random.randint(k3, (2, N_EDGES), 0, N_NODES, dtype=jnp.int64)
    return {"z": z, "edge_index": edge_index, "neg_edge_index": neg_edge_index}


def _edge_recon(z, ei, sigmoid=True):
    # value = (z[edge_index[0]] * z[edge_index[1]]).sum(dim=1)
    value = jnp.sum(jnp.take(z, ei[0], axis=0) * jnp.take(z, ei[1], axis=0), axis=1)
    return jax.nn.sigmoid(value) if sigmoid else value


def reference(z, edge_index, neg_edge_index):
    EPS = 1e-15
    n = z.shape[0]
    # Faithful to original recon_loss1: edge_index.size(0) == 2 (row dim)
    pos_weight = float(n * n - 2) / 2.0
    norm = n * n / float((n * n - 2) * 2)
    recon_adj = _edge_recon(z, edge_index)
    pos_loss = -jnp.mean(jnp.log(recon_adj + EPS))
    neg_loss = -jnp.mean(jnp.log(1.0 - _edge_recon(z, neg_edge_index) + EPS))
    return norm * (pos_loss * pos_weight + neg_loss)

if __name__ == "__main__":
    import jax
    _d = setup_inputs()
    print(jax.jit(kernel)(*tuple(_d.values())))

</pallas_src>

<mosaic_0001>
#map = affine_map<(d0, d1) -> (0)>
module attributes {stable_mosaic.version = 14 : i64} {
  func.func @sc_kernel(%arg0: i32, %arg1: i32, %arg2: memref<720000xf32, #tpu.memory_space<hbm>>, %arg3: memref<640000xi32, #tpu.memory_space<hbm>>, %arg4: memref<640000xi32, #tpu.memory_space<hbm>>, %arg5: memref<5120000xf32, #tpu.memory_space<hbm>>, %arg6: memref<90000xf32, #tpu.memory_space<vmem>>, %arg7: memref<4000xi32, #tpu.memory_space<vmem>>, %arg8: memref<4000xi32, #tpu.memory_space<vmem>>, %arg9: memref<4000xi32, #tpu.memory_space<vmem>>, %arg10: memref<4000xi32, #tpu.memory_space<vmem>>, %arg11: memref<4000xf32, #tpu.memory_space<vmem>>, %arg12: memref<4000xf32, #tpu.memory_space<vmem>>, %arg13: memref<!tpu.dma_semaphore, #tpu.memory_space<semaphore_mem>>, %arg14: memref<!tpu.dma_semaphore, #tpu.memory_space<semaphore_mem>>, %arg15: memref<!tpu.dma_semaphore, #tpu.memory_space<semaphore_mem>>, %arg16: memref<!tpu.dma_semaphore, #tpu.memory_space<semaphore_mem>>) attributes {dimension_semantics = [#tpu.dimension_semantics<core_parallel>, #tpu.dimension_semantics<subcore_parallel>], iteration_bounds = array<i64: 2, 16>, scalar_prefetch = 0 : i64, scratch_operands = 11 : i64, tpu.core_type = #tpu.core_type<sc_vector_subcore>, window_params = [{transform_indices = #map}, {transform_indices = #map}, {transform_indices = #map}, {transform_indices = #map}]} {
    %mul3A = arith.constant 2 : i32
    %mul3A_0 = arith.muli %arg1, %mul3A : i32
    %add3A = arith.addi %mul3A_0, %arg0 : i32
    %jit3A = arith.constant 8 : i32
    %eq3A = arith.constant 0 : i32
    %eq3A_1 = arith.cmpi eq, %jit3A, %eq3A : i32
    %jit3A_2 = arith.constant 1 : i32
    %select_n3A = arith.select %eq3A_1, %jit3A_2, %jit3A : i32
    %rem3A = arith.remsi %add3A, %select_n3A : i32
    %ne3A = arith.constant 0 : i32
    %ne3A_3 = arith.cmpi ne, %rem3A, %ne3A : i32
    %lt3A = arith.constant 0 : i32
    %lt3A_4 = arith.cmpi slt, %rem3A, %lt3A : i32
    %lt3A_5 = arith.constant 0 : i32
    %lt3A_6 = arith.cmpi slt, %select_n3A, %lt3A_5 : i32
    %ne3A_7 = arith.xori %lt3A_4, %lt3A_6 : i1
    %and3A = arith.andi %ne3A_7, %ne3A_3 : i1
    %add3A_8 = arith.addi %rem3A, %select_n3A : i32
    %select_n3A_9 = arith.select %and3A, %add3A_8, %rem3A : i32
    %jit3A_10 = arith.constant 8 : i32
    %div3A = arith.divsi %add3A, %jit3A_10 : i32
    %sign3A = arith.constant 0 : i32
    %sign3A_11 = arith.cmpi sgt, %add3A, %sign3A : i32
    %sign3A_12 = arith.extui %sign3A_11 : i1 to i32
    %sign3A_13 = arith.constant 0 : i32
    %sign3A_14 = arith.cmpi slt, %add3A, %sign3A_13 : i32
    %sign3A_15 = arith.extui %sign3A_14 : i1 to i32
    %sign3A_16 = arith.subi %sign3A_12, %sign3A_15 : i32
    %sign3A_17 = arith.constant 0 : i32
    %sign3A_18 = arith.cmpi sgt, %jit3A_10, %sign3A_17 : i32
    %sign3A_19 = arith.extui %sign3A_18 : i1 to i32
    %sign3A_20 = arith.constant 0 : i32
    %sign3A_21 = arith.cmpi slt, %jit3A_10, %sign3A_20 : i32
    %sign3A_22 = arith.extui %sign3A_21 : i1 to i32
    %sign3A_23 = arith.subi %sign3A_19, %sign3A_22 : i32
    %ne3A_24 = arith.cmpi ne, %sign3A_16, %sign3A_23 : i32
    %rem3A_25 = arith.remsi %add3A, %jit3A_10 : i32
    %ne3A_26 = arith.constant 0 : i32
    %ne3A_27 = arith.cmpi ne, %rem3A_25, %ne3A_26 : i32
    %and3A_28 = arith.andi %ne3A_24, %ne3A_27 : i1
    %sub3A = arith.constant 1 : i32
    %sub3A_29 = arith.subi %div3A, %sub3A : i32
    %select_n3A_30 = arith.select %and3A_28, %sub3A_29, %div3A : i32
    %mul3A_31 = arith.constant 160000 : i32
    %mul3A_32 = arith.muli %select_n3A_30, %mul3A_31 : i32
    %jit3A_33 = arith.constant 2 : i32
    %eq3A_34 = arith.constant 0 : i32
    %eq3A_35 = arith.cmpi eq, %jit3A_33, %eq3A_34 : i32
    %jit3A_36 = arith.constant 1 : i32
    %select_n3A_37 = arith.select %eq3A_35, %jit3A_36, %jit3A_33 : i32
    %rem3A_38 = arith.remsi %select_n3A_30, %select_n3A_37 : i32
    %ne3A_39 = arith.constant 0 : i32
    %ne3A_40 = arith.cmpi ne, %rem3A_38, %ne3A_39 : i32
    %lt3A_41 = arith.constant 0 : i32
    %lt3A_42 = arith.cmpi slt, %rem3A_38, %lt3A_41 : i32
    %lt3A_43 = arith.constant 0 : i32
    %lt3A_44 = arith.cmpi slt, %select_n3A_37, %lt3A_43 : i32
    %ne3A_45 = arith.xori %lt3A_42, %lt3A_44 : i1
    %and3A_46 = arith.andi %ne3A_45, %ne3A_40 : i1
    %add3A_47 = arith.addi %rem3A_38, %select_n3A_37 : i32
    %select_n3A_48 = arith.select %and3A_46, %add3A_47, %rem3A_38 : i32
    %mul3A_49 = arith.constant 160000 : i32
    %mul3A_50 = arith.muli %select_n3A_48, %mul3A_49 : i32
    %mul3A_51 = arith.constant 90000 : i32
    %mul3A_52 = arith.muli %select_n3A_9, %mul3A_51 : i32
    "tpu.region"() ({
      %run_scoped3A = tpu.sem_alloc : memref<!tpu.dma_semaphore, #tpu.memory_space<semaphore_mem>>
      %dma_start3A = tpu.memref_slice %arg2[%mul3A_52] : memref<720000xf32, #tpu.memory_space<hbm>> -> memref<90000xf32, #tpu.memory_space<hbm>>
      %dma_start3A_86 = tpu.memref_slice %arg2[%mul3A_52] : memref<720000xf32, #tpu.memory_space<hbm>> -> memref<90000xf32, #tpu.memory_space<hbm>>
      tpu.enqueue_dma source(%dma_start3A_86 : memref<90000xf32, #tpu.memory_space<hbm>>) target(%arg6 : memref<90000xf32, #tpu.memory_space<vmem>>) target_semaphore(%run_scoped3A : memref<!tpu.dma_semaphore, #tpu.memory_space<semaphore_mem>>)
      %dma_wait3A_87 = tpu.memref_slice %arg2[%mul3A_52] : memref<720000xf32, #tpu.memory_space<hbm>> -> memref<90000xf32, #tpu.memory_space<hbm>>
      %dma_wait3A_88 = tpu.memref_slice %arg2[%mul3A_52] : memref<720000xf32, #tpu.memory_space<hbm>> -> memref<90000xf32, #tpu.memory_space<hbm>>
      tpu.wait_dma2 semaphore(%run_scoped3A : memref<!tpu.dma_semaphore, #tpu.memory_space<semaphore_mem>>) src(%dma_wait3A_88 : memref<90000xf32, #tpu.memory_space<hbm>>) dst(%arg6 : memref<90000xf32, #tpu.memory_space<vmem>>)
      tpu.yield
    }) : () -> ()
    %add3A_53 = arith.constant 0 : i32
    %add3A_54 = arith.addi %mul3A_50, %add3A_53 : i32
    %lt3A_55 = arith.constant 2 : i32
    %lt3A_56 = arith.cmpi slt, %select_n3A_30, %lt3A_55 : i32
    %convert_element_type3A = arith.extui %lt3A_56 : i1 to i32
    %cond3A = arith.constant 0 : i32
    %cond3A_57 = arith.cmpi ne, %convert_element_type3A, %cond3A : i32
    scf.if %cond3A_57 {
      %dma_start3A = tpu.memref_slice %arg3[%add3A_54] : memref<640000xi32, #tpu.memory_space<hbm>> -> memref<4000xi32, #tpu.memory_space<hbm>>
      %dma_start3A_86 = tpu.memref_slice %arg3[%add3A_54] : memref<640000xi32, #tpu.memory_space<hbm>> -> memref<4000xi32, #tpu.memory_space<hbm>>
      tpu.enqueue_dma source(%dma_start3A_86 : memref<4000xi32, #tpu.memory_space<hbm>>) target(%arg7 : memref<4000xi32, #tpu.memory_space<vmem>>) target_semaphore(%arg13 : memref<!tpu.dma_semaphore, #tpu.memory_space<semaphore_mem>>)
      %add3A_87 = arith.constant 320000 : i32
      %add3A_88 = arith.addi %add3A_87, %add3A_54 : i32
      %dma_start3A_89 = tpu.memref_slice %arg3[%add3A_88] : memref<640000xi32, #tpu.memory_space<hbm>> -> memref<4000xi32, #tpu.memory_space<hbm>>
      %dma_start3A_90 = tpu.memref_slice %arg3[%add3A_88] : memref<640000xi32, #tpu.memory_space<hbm>> -> memref<4000xi32, #tpu.memory_space<hbm>>
      tpu.enqueue_dma source(%dma_start3A_90 : memref<4000xi32, #tpu.memory_space<hbm>>) target(%arg9 : memref<4000xi32, #tpu.memory_space<vmem>>) target_semaphore(%arg13 : memref<!tpu.dma_semaphore, #tpu.memory_space<semaphore_mem>>)
    } else {
    }
    %ge3A = arith.constant 2 : i32
    %ge3A_58 = arith.cmpi sge, %select_n3A_30, %ge3A : i32
    %convert_element_type3A_59 = arith.extui %ge3A_58 : i1 to i32
    %cond3A_60 = arith.constant 0 : i32
    %cond3A_61 = arith.cmpi ne, %convert_element_type3A_59, %cond3A_60 : i32
    scf.if %cond3A_61 {
      %dma_start3A = tpu.memref_slice %arg4[%add3A_54] : memref<640000xi32, #tpu.memory_space<hbm>> -> memref<4000xi32, #tpu.memory_space<hbm>>
      %dma_start3A_86 = tpu.memref_slice %arg4[%add3A_54] : memref<640000xi32, #tpu.memory_space<hbm>> -> memref<4000xi32, #tpu.memory_space<hbm>>
      tpu.enqueue_dma source(%dma_start3A_86 : memref<4000xi32, #tpu.memory_space<hbm>>) target(%arg7 : memref<4000xi32, #tpu.memory_space<vmem>>) target_semaphore(%arg13 : memref<!tpu.dma_semaphore, #tpu.memory_space<semaphore_mem>>)
      %add3A_87 = arith.constant 320000 : i32
      %add3A_88 = arith.addi %add3A_87, %add3A_54 : i32
      %dma_start3A_89 = tpu.memref_slice %arg4[%add3A_88] : memref<640000xi32, #tpu.memory_space<hbm>> -> memref<4000xi32, #tpu.memory_space<hbm>>
      %dma_start3A_90 = tpu.memref_slice %arg4[%add3A_88] : memref<640000xi32, #tpu.memory_space<hbm>> -> memref<4000xi32, #tpu.memory_space<hbm>>
      tpu.enqueue_dma source(%dma_start3A_90 : memref<4000xi32, #tpu.memory_space<hbm>>) target(%arg9 : memref<4000xi32, #tpu.memory_space<vmem>>) target_semaphore(%arg13 : memref<!tpu.dma_semaphore, #tpu.memory_space<semaphore_mem>>)
    } else {
    }
    %add3A_62 = arith.constant 4000 : i32
    %add3A_63 = arith.addi %mul3A_50, %add3A_62 : i32
    %lt3A_64 = arith.constant 2 : i32
    %lt3A_65 = arith.cmpi slt, %select_n3A_30, %lt3A_64 : i32
    %convert_element_type3A_66 = arith.extui %lt3A_65 : i1 to i32
    %cond3A_67 = arith.constant 0 : i32
    %cond3A_68 = arith.cmpi ne, %convert_element_type3A_66, %cond3A_67 : i32
    scf.if %cond3A_68 {
      %dma_start3A = tpu.memref_slice %arg3[%add3A_63] : memref<640000xi32, #tpu.memory_space<hbm>> -> memref<4000xi32, #tpu.memory_space<hbm>>
      %dma_start3A_86 = tpu.memref_slice %arg3[%add3A_63] : memref<640000xi32, #tpu.memory_space<hbm>> -> memref<4000xi32, #tpu.memory_space<hbm>>
      tpu.enqueue_dma source(%dma_start3A_86 : memref<4000xi32, #tpu.memory_space<hbm>>) target(%arg8 : memref<4000xi32, #tpu.memory_space<vmem>>) target_semaphore(%arg14 : memref<!tpu.dma_semaphore, #tpu.memory_space<semaphore_mem>>)
      %add3A_87 = arith.constant 320000 : i32
      %add3A_88 = arith.addi %add3A_87, %add3A_63 : i32
      %dma_start3A_89 = tpu.memref_slice %arg3[%add3A_88] : memref<640000xi32, #tpu.memory_space<hbm>> -> memref<4000xi32, #tpu.memory_space<hbm>>
      %dma_start3A_90 = tpu.memref_slice %arg3[%add3A_88] : memref<640000xi32, #tpu.memory_space<hbm>> -> memref<4000xi32, #tpu.memory_space<hbm>>
      tpu.enqueue_dma source(%dma_start3A_90 : memref<4000xi32, #tpu.memory_space<hbm>>) target(%arg10 : memref<4000xi32, #tpu.memory_space<vmem>>) target_semaphore(%arg14 : memref<!tpu.dma_semaphore, #tpu.memory_space<semaphore_mem>>)
    } else {
    }
    %ge3A_69 = arith.constant 2 : i32
    %ge3A_70 = arith.cmpi sge, %select_n3A_30, %ge3A_69 : i32
    %convert_element_type3A_71 = arith.extui %ge3A_70 : i1 to i32
    %cond3A_72 = arith.constant 0 : i32
    %cond3A_73 = arith.cmpi ne, %convert_element_type3A_71, %cond3A_72 : i32
    scf.if %cond3A_73 {
      %dma_start3A = tpu.memref_slice %arg4[%add3A_63] : memref<640000xi32, #tpu.memory_space<hbm>> -> memref<4000xi32, #tpu.memory_space<hbm>>
      %dma_start3A_86 = tpu.memref_slice %arg4[%add3A_63] : memref<640000xi32, #tpu.memory_space<hbm>> -> memref<4000xi32, #tpu.memory_space<hbm>>
      tpu.enqueue_dma source(%dma_start3A_86 : memref<4000xi32, #tpu.memory_space<hbm>>) target(%arg8 : memref<4000xi32, #tpu.memory_space<vmem>>) target_semaphore(%arg14 : memref<!tpu.dma_semaphore, #tpu.memory_space<semaphore_mem>>)
      %add3A_87 = arith.constant 320000 : i32
      %add3A_88 = arith.addi %add3A_87, %add3A_63 : i32
      %dma_start3A_89 = tpu.memref_slice %arg4[%add3A_88] : memref<640000xi32, #tpu.memory_space<hbm>> -> memref<4000xi32, #tpu.memory_space<hbm>>
      %dma_start3A_90 = tpu.memref_slice %arg4[%add3A_88] : memref<640000xi32, #tpu.memory_space<hbm>> -> memref<4000xi32, #tpu.memory_space<hbm>>
      tpu.enqueue_dma source(%dma_start3A_90 : memref<4000xi32, #tpu.memory_space<hbm>>) target(%arg10 : memref<4000xi32, #tpu.memory_space<vmem>>) target_semaphore(%arg14 : memref<!tpu.dma_semaphore, #tpu.memory_space<semaphore_mem>>)
    } else {
    }
    %scan3A = arith.constant 0 : i32
    %scan3A_74 = arith.constant 0 : i32
    %scan3A_75 = arith.constant 20 : i32
    %scan3A_76 = arith.addi %scan3A_74, %scan3A_75 : i32
    %scan3A_77 = arith.constant 1 : i32
    scf.for %scan3A_86 = %scan3A_74 to %scan3A_76 step %scan3A_77  : i32 {
      %mul3A_87 = arith.constant 2 : i32
      %mul3A_88 = arith.muli %scan3A_86, %mul3A_87 : i32
      %add3A_89 = arith.constant 0 : i32
      %add3A_90 = arith.addi %mul3A_88, %add3A_89 : i32
      %mul3A_91 = arith.constant 4000 : i32
      %mul3A_92 = arith.muli %add3A_90, %mul3A_91 : i32
      %add3A_93 = arith.addi %mul3A_32, %mul3A_92 : i32
      %dma_wait3A_94 = arith.constant 0 : i32
      %dma_wait3A_95 = tpu.memref_slice %arg3[%dma_wait3A_94] : memref<640000xi32, #tpu.memory_space<hbm>> -> memref<4000xi32, #tpu.memory_space<hbm>>
      %dma_wait3A_96 = arith.constant 0 : i32
      %dma_wait3A_97 = tpu.memref_slice %arg3[%dma_wait3A_96] : memref<640000xi32, #tpu.memory_space<hbm>> -> memref<4000xi32, #tpu.memory_space<hbm>>
      tpu.wait_dma2 semaphore(%arg13 : memref<!tpu.dma_semaphore, #tpu.memory_space<semaphore_mem>>) src(%dma_wait3A_97 : memref<4000xi32, #tpu.memory_space<hbm>>) dst(%arg7 : memref<4000xi32, #tpu.memory_space<vmem>>)
      %dma_wait3A_98 = arith.constant 0 : i32
      %dma_wait3A_99 = tpu.memref_slice %arg3[%dma_wait3A_98] : memref<640000xi32, #tpu.memory_space<hbm>> -> memref<4000xi32, #tpu.memory_space<hbm>>
      %dma_wait3A_100 = arith.constant 0 : i32
      %dma_wait3A_101 = tpu.memref_slice %arg3[%dma_wait3A_100] : memref<640000xi32, #tpu.memory_space<hbm>> -> memref<4000xi32, #tpu.memory_space<hbm>>
      tpu.wait_dma2 semaphore(%arg13 : memref<!tpu.dma_semaphore, #tpu.memory_space<semaphore_mem>>) src(%dma_wait3A_101 : memref<4000xi32, #tpu.memory_space<hbm>>) dst(%arg9 : memref<4000xi32, #tpu.memory_space<vmem>>)
      %add3A_102 = arith.constant 1 : i32
      %add3A_103 = arith.addi %scan3A_86, %add3A_102 : i32
      %lt3A_104 = arith.constant 20 : i32
      %lt3A_105 = arith.cmpi slt, %add3A_103, %lt3A_104 : i32
      %convert_element_type3A_106 = arith.extui %lt3A_105 : i1 to i32
      %cond3A_107 = arith.constant 0 : i32
      %cond3A_108 = arith.cmpi ne, %convert_element_type3A_106, %cond3A_107 : i32
      scf.if %cond3A_108 {
        %add3A_162 = arith.constant 2 : i32
        %add3A_163 = arith.addi %add3A_90, %add3A_162 : i32
        %mul3A_164 = arith.constant 4000 : i32
        %mul3A_165 = arith.muli %add3A_163, %mul3A_164 : i32
        %add3A_166 = arith.addi %mul3A_50, %mul3A_165 : i32
        %lt3A_167 = arith.constant 2 : i32
        %lt3A_168 = arith.cmpi slt, %select_n3A_30, %lt3A_167 : i32
        %convert_element_type3A_169 = arith.extui %lt3A_168 : i1 to i32
        %cond3A_170 = arith.constant 0 : i32
        %cond3A_171 = arith.cmpi ne, %convert_element_type3A_169, %cond3A_170 : i32
        scf.if %cond3A_171 {
          %dma_start3A_177 = tpu.memref_slice %arg3[%add3A_166] : memref<640000xi32, #tpu.memory_space<hbm>> -> memref<4000xi32, #tpu.memory_space<hbm>>
          %dma_start3A_178 = tpu.memref_slice %arg3[%add3A_166] : memref<640000xi32, #tpu.memory_space<hbm>> -> memref<4000xi32, #tpu.memory_space<hbm>>
          tpu.enqueue_dma source(%dma_start3A_178 : memref<4000xi32, #tpu.memory_space<hbm>>) target(%arg7 : memref<4000xi32, #tpu.memory_space<vmem>>) target_semaphore(%arg13 : memref<!tpu.dma_semaphore, #tpu.memory_space<semaphore_mem>>)
          %add3A_179 = arith.constant 320000 : i32
          %add3A_180 = arith.addi %add3A_179, %add3A_166 : i32
          %dma_start3A_181 = tpu.memref_slice %arg3[%add3A_180] : memref<640000xi32, #tpu.memory_space<hbm>> -> memref<4000xi32, #tpu.memory_space<hbm>>
          %dma_start3A_182 = tpu.memref_slice %arg3[%add3A_180] : memref<640000xi32, #tpu.memory_space<hbm>> -> memref<4000xi32, #tpu.memory_space<hbm>>
          tpu.enqueue_dma source(%dma_start3A_182 : memref<4000xi32, #tpu.memory_space<hbm>>) target(%arg9 : memref<4000xi32, #tpu.memory_space<vmem>>) target_semaphore(%arg13 : memref<!tpu.dma_semaphore, #tpu.memory_space<semaphore_mem>>)
        } else {
        }
        %ge3A_172 = arith.constant 2 : i32
        %ge3A_173 = arith.cmpi sge, %select_n3A_30, %ge3A_172 : i32
        %convert_element_type3A_174 = arith.extui %ge3A_173 : i1 to i32
        %cond3A_175 = arith.constant 0 : i32
        %cond3A_176 = arith.cmpi ne, %convert_element_type3A_174, %cond3A_175 : i32
        scf.if %cond3A_176 {
          %dma_start3A_177 = tpu.memref_slice %arg4[%add3A_166] : memref<640000xi32, #tpu.memory_space<hbm>> -> memref<4000xi32, #tpu.memory_space<hbm>>
          %dma_start3A_178 = tpu.memref_slice %arg4[%add3A_166] : memref<640000xi32, #tpu.memory_space<hbm>> -> memref<4000xi32, #tpu.memory_space<hbm>>
          tpu.enqueue_dma source(%dma_start3A_178 : memref<4000xi32, #tpu.memory_space<hbm>>) target(%arg7 : memref<4000xi32, #tpu.memory_space<vmem>>) target_semaphore(%arg13 : memref<!tpu.dma_semaphore, #tpu.memory_space<semaphore_mem>>)
          %add3A_179 = arith.constant 320000 : i32
          %add3A_180 = arith.addi %add3A_179, %add3A_166 : i32
          %dma_start3A_181 = tpu.memref_slice %arg4[%add3A_180] : memref<640000xi32, #tpu.memory_space<hbm>> -> memref<4000xi32, #tpu.memory_space<hbm>>
          %dma_start3A_182 = tpu.memref_slice %arg4[%add3A_180] : memref<640000xi32, #tpu.memory_space<hbm>> -> memref<4000xi32, #tpu.memory_space<hbm>>
          tpu.enqueue_dma source(%dma_start3A_182 : memref<4000xi32, #tpu.memory_space<hbm>>) target(%arg9 : memref<4000xi32, #tpu.memory_space<vmem>>) target_semaphore(%arg13 : memref<!tpu.dma_semaphore, #tpu.memory_space<semaphore_mem>>)
        } else {
        }
      } else {
      }
      %ge3A_109 = arith.constant 2 : i32
      %ge3A_110 = arith.cmpi sge, %add3A_90, %ge3A_109 : i32
      %convert_element_type3A_111 = arith.extui %ge3A_110 : i1 to i32
      %cond3A_112 = arith.constant 0 : i32
      %cond3A_113 = arith.cmpi ne, %convert_element_type3A_111, %cond3A_112 : i32
      scf.if %cond3A_113 {
        %dma_wait3A_162 = arith.constant 0 : i32
        %dma_wait3A_163 = tpu.memref_slice %arg5[%dma_wait3A_162] : memref<5120000xf32, #tpu.memory_space<hbm>> -> memref<4000xf32, #tpu.memory_space<hbm>>
        %dma_wait3A_164 = arith.constant 0 : i32
        %dma_wait3A_165 = tpu.memref_slice %arg5[%dma_wait3A_164] : memref<5120000xf32, #tpu.memory_space<hbm>> -> memref<4000xf32, #tpu.memory_space<hbm>>
        tpu.wait_dma2 semaphore(%arg15 : memref<!tpu.dma_semaphore, #tpu.memory_space<semaphore_mem>>) src(%arg11 : memref<4000xf32, #tpu.memory_space<vmem>>) dst(%dma_wait3A_165 : memref<4000xf32, #tpu.memory_space<hbm>>)
      } else {
      }
      %scan3A_114 = arith.constant 0 : i32
      %scan3A_115 = arith.constant 0 : i32
      %scan3A_116 = arith.constant 250 : i32
      %scan3A_117 = arith.addi %scan3A_115, %scan3A_116 : i32
      %scan3A_118 = arith.constant 1 : i32
      scf.for %scan3A_162 = %scan3A_115 to %scan3A_117 step %scan3A_118  : i32 {
        %mul3A_163 = arith.constant 16 : i32
        %mul3A_164 = arith.muli %scan3A_162, %mul3A_163 : i32
        %get3A = arith.index_cast %mul3A_164 : i32 to index
        %get3A_165 = tpu.vector_load %arg7[%get3A] {strides = array<i32>} : memref<4000xi32, #tpu.memory_space<vmem>>, vector<16xi32>,
        %mul3A_166 = arith.constant 16 : i32
        %mul3A_167 = arith.muli %scan3A_162, %mul3A_166 : i32
        %get3A_168 = arith.index_cast %mul3A_167 : i32 to index
        %get3A_169 = tpu.vector_load %arg9[%get3A_168] {strides = array<i32>} : memref<4000xi32, #tpu.memory_space<vmem>>, vector<16xi32>,
        %shift_left3A = arith.constant 3 : i32
        %shift_left3A_170 = vector.broadcast %shift_left3A : i32 to vector<16xi32>
        %shift_left3A_171 = arith.shli %get3A_165, %shift_left3A_170 : vector<16xi32>
        %add3A_172 = arith.addi %shift_left3A_171, %get3A_165 : vector<16xi32>
        %shift_left3A_173 = arith.constant 3 : i32
        %shift_left3A_174 = vector.broadcast %shift_left3A_173 : i32 to vector<16xi32>
        %shift_left3A_175 = arith.shli %get3A_169, %shift_left3A_174 : vector<16xi32>
        %add3A_176 = arith.addi %shift_left3A_175, %get3A_169 : vector<16xi32>
        %broadcast_in_dim3A = arith.constant 0.000000e+00 : bf16
        %broadcast_in_dim3A_177 = vector.broadcast %broadcast_in_dim3A : bf16 to vector<32xbf16>
        %broadcast_in_dim3A_178 = arith.constant 0.000000e+00 : bf16
        %broadcast_in_dim3A_179 = vector.broadcast %broadcast_in_dim3A_178 : bf16 to vector<32xbf16>
        %add3A_180 = arith.constant 0 : i32
        %add3A_181 = vector.broadcast %add3A_180 : i32 to vector<16xi32>
        %add3A_182 = arith.addi %add3A_172, %add3A_181 : vector<16xi32>
        %gather3A = tpu.vector_load_idx %arg6[%add3A_182] : memref<90000xf32, #tpu.memory_space<vmem>>[vector<16xi32>], vector<16xf32>,
        %add3A_183 = arith.constant 0 : i32
        %add3A_184 = vector.broadcast %add3A_183 : i32 to vector<16xi32>
        %add3A_185 = arith.addi %add3A_176, %add3A_184 : vector<16xi32>
        %gather3A_186 = tpu.vector_load_idx %arg6[%add3A_185] : memref<90000xf32, #tpu.memory_space<vmem>>[vector<16xi32>], vector<16xf32>,
        %bitcast3A = vector.bitcast %gather3A : vector<16xf32> to vector<32xbf16>
        %bitcast3A_187 = vector.bitcast %gather3A_186 : vector<16xf32> to vector<32xbf16>
        %mul3A_188 = arith.mulf %bitcast3A, %bitcast3A_187 : vector<32xbf16>
        %add3A_189 = arith.addf %broadcast_in_dim3A_177, %mul3A_188 : vector<32xbf16>
        %add3A_190 = arith.constant 1 : i32
        %add3A_191 = vector.broadcast %add3A_190 : i32 to vector<16xi32>
        %add3A_192 = arith.addi %add3A_172, %add3A_191 : vector<16xi32>
        %gather3A_193 = tpu.vector_load_idx %arg6[%add3A_192] : memref<90000xf32, #tpu.memory_space<vmem>>[vector<16xi32>], vector<16xf32>,
        %add3A_194 = arith.constant 1 : i32
        %add3A_195 = vector.broadcast %add3A_194 : i32 to vector<16xi32>
        %add3A_196 = arith.addi %add3A_176, %add3A_195 : vector<16xi32>
        %gather3A_197 = tpu.vector_load_idx %arg6[%add3A_196] : memref<90000xf32, #tpu.memory_space<vmem>>[vector<16xi32>], vector<16xf32>,
        %bitcast3A_198 = vector.bitcast %gather3A_193 : vector<16xf32> to vector<32xbf16>
        %bitcast3A_199 = vector.bitcast %gather3A_197 : vector<16xf32> to vector<32xbf16>
        %mul3A_200 = arith.mulf %bitcast3A_198, %bitcast3A_199 : vector<32xbf16>
        %add3A_201 = arith.addf %broadcast_in_dim3A_179, %mul3A_200 : vector<32xbf16>
        %add3A_202 = arith.constant 2 : i32
        %add3A_203 = vector.broadcast %add3A_202 : i32 to vector<16xi32>
        %add3A_204 = arith.addi %add3A_172, %add3A_203 : vector<16xi32>
        %gather3A_205 = tpu.vector_load_idx %arg6[%add3A_204] : memref<90000xf32, #tpu.memory_space<vmem>>[vector<16xi32>], vector<16xf32>,
        %add3A_206 = arith.constant 2 : i32
        %add3A_207 = vector.broadcast %add3A_206 : i32 to vector<16xi32>
        %add3A_208 = arith.addi %add3A_176, %add3A_207 : vector<16xi32>
        %gather3A_209 = tpu.vector_load_idx %arg6[%add3A_208] : memref<90000xf32, #tpu.memory_space<vmem>>[vector<16xi32>], vector<16xf32>,
        %bitcast3A_210 = vector.bitcast %gather3A_205 : vector<16xf32> to vector<32xbf16>
        %bitcast3A_211 = vector.bitcast %gather3A_209 : vector<16xf32> to vector<32xbf16>
        %mul3A_212 = arith.mulf %bitcast3A_210, %bitcast3A_211 : vector<32xbf16>
        %add3A_213 = arith.addf %add3A_189, %mul3A_212 : vector<32xbf16>
        %add3A_214 = arith.constant 3 : i32
        %add3A_215 = vector.broadcast %add3A_214 : i32 to vector<16xi32>
        %add3A_216 = arith.addi %add3A_172, %add3A_215 : vector<16xi32>
        %gather3A_217 = tpu.vector_load_idx %arg6[%add3A_216] : memref<90000xf32, #tpu.memory_space<vmem>>[vector<16xi32>], vector<16xf32>,
        %add3A_218 = arith.constant 3 : i32
        %add3A_219 = vector.broadcast %add3A_218 : i32 to vector<16xi32>
        %add3A_220 = arith.addi %add3A_176, %add3A_219 : vector<16xi32>
        %gather3A_221 = tpu.vector_load_idx %arg6[%add3A_220] : memref<90000xf32, #tpu.memory_space<vmem>>[vector<16xi32>], vector<16xf32>,
        %bitcast3A_222 = vector.bitcast %gather3A_217 : vector<16xf32> to vector<32xbf16>
        %bitcast3A_223 = vector.bitcast %gather3A_221 : vector<16xf32> to vector<32xbf16>
        %mul3A_224 = arith.mulf %bitcast3A_222, %bitcast3A_223 : vector<32xbf16>
        %add3A_225 = arith.addf %add3A_201, %mul3A_224 : vector<32xbf16>
        %add3A_226 = arith.constant 4 : i32
        %add3A_227 = vector.broadcast %add3A_226 : i32 to vector<16xi32>
        %add3A_228 = arith.addi %add3A_172, %add3A_227 : vector<16xi32>
        %gather3A_229 = tpu.vector_load_idx %arg6[%add3A_228] : memref<90000xf32, #tpu.memory_space<vmem>>[vector<16xi32>], vector<16xf32>,
        %add3A_230 = arith.constant 4 : i32
        %add3A_231 = vector.broadcast %add3A_230 : i32 to vector<16xi32>
        %add3A_232 = arith.addi %add3A_176, %add3A_231 : vector<16xi32>
        %gather3A_233 = tpu.vector_load_idx %arg6[%add3A_232] : memref<90000xf32, #tpu.memory_space<vmem>>[vector<16xi32>], vector<16xf32>,
        %bitcast3A_234 = vector.bitcast %gather3A_229 : vector<16xf32> to vector<32xbf16>
        %bitcast3A_235 = vector.bitcast %gather3A_233 : vector<16xf32> to vector<32xbf16>
        %mul3A_236 = arith.mulf %bitcast3A_234, %bitcast3A_235 : vector<32xbf16>
        %add3A_237 = arith.addf %add3A_213, %mul3A_236 : vector<32xbf16>
        %add3A_238 = arith.constant 5 : i32
        %add3A_239 = vector.broadcast %add3A_238 : i32 to vector<16xi32>
        %add3A_240 = arith.addi %add3A_172, %add3A_239 : vector<16xi32>
        %gather3A_241 = tpu.vector_load_idx %arg6[%add3A_240] : memref<90000xf32, #tpu.memory_space<vmem>>[vector<16xi32>], vector<16xf32>,
        %add3A_242 = arith.constant 5 : i32
        %add3A_243 = vector.broadcast %add3A_242 : i32 to vector<16xi32>
        %add3A_244 = arith.addi %add3A_176, %add3A_243 : vector<16xi32>
        %gather3A_245 = tpu.vector_load_idx %arg6[%add3A_244] : memref<90000xf32, #tpu.memory_space<vmem>>[vector<16xi32>], vector<16xf32>,
        %bitcast3A_246 = vector.bitcast %gather3A_241 : vector<16xf32> to vector<32xbf16>
        %bitcast3A_247 = vector.bitcast %gather3A_245 : vector<16xf32> to vector<32xbf16>
        %mul3A_248 = arith.mulf %bitcast3A_246, %bitcast3A_247 : vector<32xbf16>
        %add3A_249 = arith.addf %add3A_225, %mul3A_248 : vector<32xbf16>
        %add3A_250 = arith.constant 6 : i32
        %add3A_251 = vector.broadcast %add3A_250 : i32 to vector<16xi32>
        %add3A_252 = arith.addi %add3A_172, %add3A_251 : vector<16xi32>
        %gather3A_253 = tpu.vector_load_idx %arg6[%add3A_252] : memref<90000xf32, #tpu.memory_space<vmem>>[vector<16xi32>], vector<16xf32>,
        %add3A_254 = arith.constant 6 : i32
        %add3A_255 = vector.broadcast %add3A_254 : i32 to vector<16xi32>
        %add3A_256 = arith.addi %add3A_176, %add3A_255 : vector<16xi32>
        %gather3A_257 = tpu.vector_load_idx %arg6[%add3A_256] : memref<90000xf32, #tpu.memory_space<vmem>>[vector<16xi32>], vector<16xf32>,
        %bitcast3A_258 = vector.bitcast %gather3A_253 : vector<16xf32> to vector<32xbf16>
        %bitcast3A_259 = vector.bitcast %gather3A_257 : vector<16xf32> to vector<32xbf16>
        %mul3A_260 = arith.mulf %bitcast3A_258, %bitcast3A_259 : vector<32xbf16>
        %add3A_261 = arith.addf %add3A_237, %mul3A_260 : vector<32xbf16>
        %add3A_262 = arith.constant 7 : i32
        %add3A_263 = vector.broadcast %add3A_262 : i32 to vector<16xi32>
        %add3A_264 = arith.addi %add3A_172, %add3A_263 : vector<16xi32>
        %gather3A_265 = tpu.vector_load_idx %arg6[%add3A_264] : memref<90000xf32, #tpu.memory_space<vmem>>[vector<16xi32>], vector<16xf32>,
        %add3A_266 = arith.constant 7 : i32
        %add3A_267 = vector.broadcast %add3A_266 : i32 to vector<16xi32>
        %add3A_268 = arith.addi %add3A_176, %add3A_267 : vector<16xi32>
        %gather3A_269 = tpu.vector_load_idx %arg6[%add3A_268] : memref<90000xf32, #tpu.memory_space<vmem>>[vector<16xi32>], vector<16xf32>,
        %bitcast3A_270 = vector.bitcast %gather3A_265 : vector<16xf32> to vector<32xbf16>
        %bitcast3A_271 = vector.bitcast %gather3A_269 : vector<16xf32> to vector<32xbf16>
        %mul3A_272 = arith.mulf %bitcast3A_270, %bitcast3A_271 : vector<32xbf16>
        %add3A_273 = arith.addf %add3A_249, %mul3A_272 : vector<32xbf16>
        %add3A_274 = arith.addf %add3A_261, %add3A_273 : vector<32xbf16>
        %unpack3A = tpu.unpack_subelements %add3A_274, 0 {pack_format = #tpu.pack_format<interleaved>} : vector<32xbf16> -> vector<16xf32>
        %unpack3A_275 = tpu.unpack_subelements %add3A_274, 1 {pack_format = #tpu.pack_format<interleaved>} : vector<32xbf16> -> vector<16xf32>
        %add3A_276 = arith.addf %unpack3A, %unpack3A_275 : vector<16xf32>
        %mul3A_277 = arith.constant 16 : i32
        %mul3A_278 = arith.muli %scan3A_162, %mul3A_277 : i32
        %swap3A = arith.index_cast %mul3A_278 : i32 to index
        %swap3A_279 = tpu.vector_load %arg11[%swap3A] {strides = array<i32>} : memref<4000xf32, #tpu.memory_space<vmem>>, vector<16xf32>,
        tpu.vector_store %arg11[%swap3A], %add3A_276 {strides = array<i32>} : memref<4000xf32, #tpu.memory_space<vmem>>, vector<16xf32>,
      }
      %scan3A_119 = arith.constant 250 : i32
      %mul3A_120 = arith.constant 640000 : i32
      %mul3A_121 = arith.muli %select_n3A_9, %mul3A_120 : i32
      %add3A_122 = arith.addi %mul3A_121, %add3A_93 : i32
      %dma_start3A = tpu.memref_slice %arg5[%add3A_122] : memref<5120000xf32, #tpu.memory_space<hbm>> -> memref<4000xf32, #tpu.memory_space<hbm>>
      %dma_start3A_123 = tpu.memref_slice %arg5[%add3A_122] : memref<5120000xf32, #tpu.memory_space<hbm>> -> memref<4000xf32, #tpu.memory_space<hbm>>
      tpu.enqueue_dma source(%arg11 : memref<4000xf32, #tpu.memory_space<vmem>>) target(%dma_start3A_123 : memref<4000xf32, #tpu.memory_space<hbm>>) target_semaphore(%arg15 : memref<!tpu.dma_semaphore, #tpu.memory_space<semaphore_mem>>)
      %mul3A_124 = arith.constant 2 : i32
      %mul3A_125 = arith.muli %scan3A_86, %mul3A_124 : i32
      %add3A_126 = arith.constant 1 : i32
      %add3A_127 = arith.addi %mul3A_125, %add3A_126 : i32
      %mul3A_128 = arith.constant 4000 : i32
      %mul3A_129 = arith.muli %add3A_127, %mul3A_128 : i32
      %add3A_130 = arith.addi %mul3A_32, %mul3A_129 : i32
      %dma_wait3A_131 = arith.constant 0 : i32
      %dma_wait3A_132 = tpu.memref_slice %arg3[%dma_wait3A_131] : memref<640000xi32, #tpu.memory_space<hbm>> -> memref<4000xi32, #tpu.memory_space<hbm>>
      %dma_wait3A_133 = arith.constant 0 : i32
      %dma_wait3A_134 = tpu.memref_slice %arg3[%dma_wait3A_133] : memref<640000xi32, #tpu.memory_space<hbm>> -> memref<4000xi32, #tpu.memory_space<hbm>>
      tpu.wait_dma2 semaphore(%arg14 : memref<!tpu.dma_semaphore, #tpu.memory_space<semaphore_mem>>) src(%dma_wait3A_134 : memref<4000xi32, #tpu.memory_space<hbm>>) dst(%arg8 : memref<4000xi32, #tpu.memory_space<vmem>>)
      %dma_wait3A_135 = arith.constant 0 : i32
      %dma_wait3A_136 = tpu.memref_slice %arg3[%dma_wait3A_135] : memref<640000xi32, #tpu.memory_space<hbm>> -> memref<4000xi32, #tpu.memory_space<hbm>>
      %dma_wait3A_137 = arith.constant 0 : i32
      %dma_wait3A_138 = tpu.memref_slice %arg3[%dma_wait3A_137] : memref<640000xi32, #tpu.memory_space<hbm>> -> memref<4000xi32, #tpu.memory_space<hbm>>
      tpu.wait_dma2 semaphore(%arg14 : memref<!tpu.dma_semaphore, #tpu.memory_space<semaphore_mem>>) src(%dma_wait3A_138 : memref<4000xi32, #tpu.memory_space<hbm>>) dst(%arg10 : memref<4000xi32, #tpu.memory_space<vmem>>)
      %add3A_139 = arith.constant 1 : i32
      %add3A_140 = arith.addi %scan3A_86, %add3A_139 : i32
      %lt3A_141 = arith.constant 20 : i32
      %lt3A_142 = arith.cmpi slt, %add3A_140, %lt3A_141 : i32
      %convert_element_type3A_143 = arith.extui %lt3A_142 : i1 to i32
      %cond3A_144 = arith.constant 0 : i32
      %cond3A_145 = arith.cmpi ne, %convert_element_type3A_143, %cond3A_144 : i32
      scf.if %cond3A_145 {
        %add3A_162 = arith.constant 2 : i32
        %add3A_163 = arith.addi %add3A_127, %add3A_162 : i32
        %mul3A_164 = arith.constant 4000 : i32
        %mul3A_165 = arith.muli %add3A_163, %mul3A_164 : i32
        %add3A_166 = arith.addi %mul3A_50, %mul3A_165 : i32
        %lt3A_167 = arith.constant 2 : i32
        %lt3A_168 = arith.cmpi slt, %select_n3A_30, %lt3A_167 : i32
        %convert_element_type3A_169 = arith.extui %lt3A_168 : i1 to i32
        %cond3A_170 = arith.constant 0 : i32
        %cond3A_171 = arith.cmpi ne, %convert_element_type3A_169, %cond3A_170 : i32
        scf.if %cond3A_171 {
          %dma_start3A_177 = tpu.memref_slice %arg3[%add3A_166] : memref<640000xi32, #tpu.memory_space<hbm>> -> memref<4000xi32, #tpu.memory_space<hbm>>
          %dma_start3A_178 = tpu.memref_slice %arg3[%add3A_166] : memref<640000xi32, #tpu.memory_space<hbm>> -> memref<4000xi32, #tpu.memory_space<hbm>>
          tpu.enqueue_dma source(%dma_start3A_178 : memref<4000xi32, #tpu.memory_space<hbm>>) target(%arg8 : memref<4000xi32, #tpu.memory_space<vmem>>) target_semaphore(%arg14 : memref<!tpu.dma_semaphore, #tpu.memory_space<semaphore_mem>>)
          %add3A_179 = arith.constant 320000 : i32
          %add3A_180 = arith.addi %add3A_179, %add3A_166 : i32
          %dma_start3A_181 = tpu.memref_slice %arg3[%add3A_180] : memref<640000xi32, #tpu.memory_space<hbm>> -> memref<4000xi32, #tpu.memory_space<hbm>>
          %dma_start3A_182 = tpu.memref_slice %arg3[%add3A_180] : memref<640000xi32, #tpu.memory_space<hbm>> -> memref<4000xi32, #tpu.memory_space<hbm>>
          tpu.enqueue_dma source(%dma_start3A_182 : memref<4000xi32, #tpu.memory_space<hbm>>) target(%arg10 : memref<4000xi32, #tpu.memory_space<vmem>>) target_semaphore(%arg14 : memref<!tpu.dma_semaphore, #tpu.memory_space<semaphore_mem>>)
        } else {
        }
        %ge3A_172 = arith.constant 2 : i32
        %ge3A_173 = arith.cmpi sge, %select_n3A_30, %ge3A_172 : i32
        %convert_element_type3A_174 = arith.extui %ge3A_173 : i1 to i32
        %cond3A_175 = arith.constant 0 : i32
        %cond3A_176 = arith.cmpi ne, %convert_element_type3A_174, %cond3A_175 : i32
        scf.if %cond3A_176 {
          %dma_start3A_177 = tpu.memref_slice %arg4[%add3A_166] : memref<640000xi32, #tpu.memory_space<hbm>> -> memref<4000xi32, #tpu.memory_space<hbm>>
          %dma_start3A_178 = tpu.memref_slice %arg4[%add3A_166] : memref<640000xi32, #tpu.memory_space<hbm>> -> memref<4000xi32, #tpu.memory_space<hbm>>
          tpu.enqueue_dma source(%dma_start3A_178 : memref<4000xi32, #tpu.memory_space<hbm>>) target(%arg8 : memref<4000xi32, #tpu.memory_space<vmem>>) target_semaphore(%arg14 : memref<!tpu.dma_semaphore, #tpu.memory_space<semaphore_mem>>)
          %add3A_179 = arith.constant 320000 : i32
          %add3A_180 = arith.addi %add3A_179, %add3A_166 : i32
          %dma_start3A_181 = tpu.memref_slice %arg4[%add3A_180] : memref<640000xi32, #tpu.memory_space<hbm>> -> memref<4000xi32, #tpu.memory_space<hbm>>
          %dma_start3A_182 = tpu.memref_slice %arg4[%add3A_180] : memref<640000xi32, #tpu.memory_space<hbm>> -> memref<4000xi32, #tpu.memory_space<hbm>>
          tpu.enqueue_dma source(%dma_start3A_182 : memref<4000xi32, #tpu.memory_space<hbm>>) target(%arg10 : memref<4000xi32, #tpu.memory_space<vmem>>) target_semaphore(%arg14 : memref<!tpu.dma_semaphore, #tpu.memory_space<semaphore_mem>>)
        } else {
        }
      } else {
      }
      %ge3A_146 = arith.constant 2 : i32
      %ge3A_147 = arith.cmpi sge, %add3A_127, %ge3A_146 : i32
      %convert_element_type3A_148 = arith.extui %ge3A_147 : i1 to i32
      %cond3A_149 = arith.constant 0 : i32
      %cond3A_150 = arith.cmpi ne, %convert_element_type3A_148, %cond3A_149 : i32
      scf.if %cond3A_150 {
        %dma_wait3A_162 = arith.constant 0 : i32
        %dma_wait3A_163 = tpu.memref_slice %arg5[%dma_wait3A_162] : memref<5120000xf32, #tpu.memory_space<hbm>> -> memref<4000xf32, #tpu.memory_space<hbm>>
        %dma_wait3A_164 = arith.constant 0 : i32
        %dma_wait3A_165 = tpu.memref_slice %arg5[%dma_wait3A_164] : memref<5120000xf32, #tpu.memory_space<hbm>> -> memref<4000xf32, #tpu.memory_space<hbm>>
        tpu.wait_dma2 semaphore(%arg16 : memref<!tpu.dma_semaphore, #tpu.memory_space<semaphore_mem>>) src(%arg12 : memref<4000xf32, #tpu.memory_space<vmem>>) dst(%dma_wait3A_165 : memref<4000xf32, #tpu.memory_space<hbm>>)
      } else {
      }
      %scan3A_151 = arith.constant 0 : i32
      %scan3A_152 = arith.constant 0 : i32
      %scan3A_153 = arith.constant 250 : i32
      %scan3A_154 = arith.addi %scan3A_152, %scan3A_153 : i32
      %scan3A_155 = arith.constant 1 : i32
      scf.for %scan3A_162 = %scan3A_152 to %scan3A_154 step %scan3A_155  : i32 {
        %mul3A_163 = arith.constant 16 : i32
        %mul3A_164 = arith.muli %scan3A_162, %mul3A_163 : i32
        %get3A = arith.index_cast %mul3A_164 : i32 to index
        %get3A_165 = tpu.vector_load %arg8[%get3A] {strides = array<i32>} : memref<4000xi32, #tpu.memory_space<vmem>>, vector<16xi32>,
        %mul3A_166 = arith.constant 16 : i32
        %mul3A_167 = arith.muli %scan3A_162, %mul3A_166 : i32
        %get3A_168 = arith.index_cast %mul3A_167 : i32 to index
        %get3A_169 = tpu.vector_load %arg10[%get3A_168] {strides = array<i32>} : memref<4000xi32, #tpu.memory_space<vmem>>, vector<16xi32>,
        %shift_left3A = arith.constant 3 : i32
        %shift_left3A_170 = vector.broadcast %shift_left3A : i32 to vector<16xi32>
        %shift_left3A_171 = arith.shli %get3A_165, %shift_left3A_170 : vector<16xi32>
        %add3A_172 = arith.addi %shift_left3A_171, %get3A_165 : vector<16xi32>
        %shift_left3A_173 = arith.constant 3 : i32
        %shift_left3A_174 = vector.broadcast %shift_left3A_173 : i32 to vector<16xi32>
        %shift_left3A_175 = arith.shli %get3A_169, %shift_left3A_174 : vector<16xi32>
        %add3A_176 = arith.addi %shift_left3A_175, %get3A_169 : vector<16xi32>
        %broadcast_in_dim3A = arith.constant 0.000000e+00 : bf16
        %broadcast_in_dim3A_177 = vector.broadcast %broadcast_in_dim3A : bf16 to vector<32xbf16>
        %broadcast_in_dim3A_178 = arith.constant 0.000000e+00 : bf16
        %broadcast_in_dim3A_179 = vector.broadcast %broadcast_in_dim3A_178 : bf16 to vector<32xbf16>
        %add3A_180 = arith.constant 0 : i32
        %add3A_181 = vector.broadcast %add3A_180 : i32 to vector<16xi32>
        %add3A_182 = arith.addi %add3A_172, %add3A_181 : vector<16xi32>
        %gather3A = tpu.vector_load_idx %arg6[%add3A_182] : memref<90000xf32, #tpu.memory_space<vmem>>[vector<16xi32>], vector<16xf32>,
        %add3A_183 = arith.constant 0 : i32
        %add3A_184 = vector.broadcast %add3A_183 : i32 to vector<16xi32>
        %add3A_185 = arith.addi %add3A_176, %add3A_184 : vector<16xi32>
        %gather3A_186 = tpu.vector_load_idx %arg6[%add3A_185] : memref<90000xf32, #tpu.memory_space<vmem>>[vector<16xi32>], vector<16xf32>,
        %bitcast3A = vector.bitcast %gather3A : vector<16xf32> to vector<32xbf16>
        %bitcast3A_187 = vector.bitcast %gather3A_186 : vector<16xf32> to vector<32xbf16>
        %mul3A_188 = arith.mulf %bitcast3A, %bitcast3A_187 : vector<32xbf16>
        %add3A_189 = arith.addf %broadcast_in_dim3A_177, %mul3A_188 : vector<32xbf16>
        %add3A_190 = arith.constant 1 : i32
        %add3A_191 = vector.broadcast %add3A_190 : i32 to vector<16xi32>
        %add3A_192 = arith.addi %add3A_172, %add3A_191 : vector<16xi32>
        %gather3A_193 = tpu.vector_load_idx %arg6[%add3A_192] : memref<90000xf32, #tpu.memory_space<vmem>>[vector<16xi32>], vector<16xf32>,
        %add3A_194 = arith.constant 1 : i32
        %add3A_195 = vector.broadcast %add3A_194 : i32 to vector<16xi32>
        %add3A_196 = arith.addi %add3A_176, %add3A_195 : vector<16xi32>
        %gather3A_197 = tpu.vector_load_idx %arg6[%add3A_196] : memref<90000xf32, #tpu.memory_space<vmem>>[vector<16xi32>], vector<16xf32>,
        %bitcast3A_198 = vector.bitcast %gather3A_193 : vector<16xf32> to vector<32xbf16>
        %bitcast3A_199 = vector.bitcast %gather3A_197 : vector<16xf32> to vector<32xbf16>
        %mul3A_200 = arith.mulf %bitcast3A_198, %bitcast3A_199 : vector<32xbf16>
        %add3A_201 = arith.addf %broadcast_in_dim3A_179, %mul3A_200 : vector<32xbf16>
        %add3A_202 = arith.constant 2 : i32
        %add3A_203 = vector.broadcast %add3A_202 : i32 to vector<16xi32>
        %add3A_204 = arith.addi %add3A_172, %add3A_203 : vector<16xi32>
        %gather3A_205 = tpu.vector_load_idx %arg6[%add3A_204] : memref<90000xf32, #tpu.memory_space<vmem>>[vector<16xi32>], vector<16xf32>,
        %add3A_206 = arith.constant 2 : i32
        %add3A_207 = vector.broadcast %add3A_206 : i32 to vector<16xi32>
        %add3A_208 = arith.addi %add3A_176, %add3A_207 : vector<16xi32>
        %gather3A_209 = tpu.vector_load_idx %arg6[%add3A_208] : memref<90000xf32, #tpu.memory_space<vmem>>[vector<16xi32>], vector<16xf32>,
        %bitcast3A_210 = vector.bitcast %gather3A_205 : vector<16xf32> to vector<32xbf16>
        %bitcast3A_211 = vector.bitcast %gather3A_209 : vector<16xf32> to vector<32xbf16>
        %mul3A_212 = arith.mulf %bitcast3A_210, %bitcast3A_211 : vector<32xbf16>
        %add3A_213 = arith.addf %add3A_189, %mul3A_212 : vector<32xbf16>
        %add3A_214 = arith.constant 3 : i32
        %add3A_215 = vector.broadcast %add3A_214 : i32 to vector<16xi32>
        %add3A_216 = arith.addi %add3A_172, %add3A_215 : vector<16xi32>
        %gather3A_217 = tpu.vector_load_idx %arg6[%add3A_216] : memref<90000xf32, #tpu.memory_space<vmem>>[vector<16xi32>], vector<16xf32>,
        %add3A_218 = arith.constant 3 : i32
        %add3A_219 = vector.broadcast %add3A_218 : i32 to vector<16xi32>
        %add3A_220 = arith.addi %add3A_176, %add3A_219 : vector<16xi32>
        %gather3A_221 = tpu.vector_load_idx %arg6[%add3A_220] : memref<90000xf32, #tpu.memory_space<vmem>>[vector<16xi32>], vector<16xf32>,
        %bitcast3A_222 = vector.bitcast %gather3A_217 : vector<16xf32> to vector<32xbf16>
        %bitcast3A_223 = vector.bitcast %gather3A_221 : vector<16xf32> to vector<32xbf16>
        %mul3A_224 = arith.mulf %bitcast3A_222, %bitcast3A_223 : vector<32xbf16>
        %add3A_225 = arith.addf %add3A_201, %mul3A_224 : vector<32xbf16>
        %add3A_226 = arith.constant 4 : i32
        %add3A_227 = vector.broadcast %add3A_226 : i32 to vector<16xi32>
        %add3A_228 = arith.addi %add3A_172, %add3A_227 : vector<16xi32>
        %gather3A_229 = tpu.vector_load_idx %arg6[%add3A_228] : memref<90000xf32, #tpu.memory_space<vmem>>[vector<16xi32>], vector<16xf32>,
        %add3A_230 = arith.constant 4 : i32
        %add3A_231 = vector.broadcast %add3A_230 : i32 to vector<16xi32>
        %add3A_232 = arith.addi %add3A_176, %add3A_231 : vector<16xi32>
        %gather3A_233 = tpu.vector_load_idx %arg6[%add3A_232] : memref<90000xf32, #tpu.memory_space<vmem>>[vector<16xi32>], vector<16xf32>,
        %bitcast3A_234 = vector.bitcast %gather3A_229 : vector<16xf32> to vector<32xbf16>
        %bitcast3A_235 = vector.bitcast %gather3A_233 : vector<16xf32> to vector<32xbf16>
        %mul3A_236 = arith.mulf %bitcast3A_234, %bitcast3A_235 : vector<32xbf16>
        %add3A_237 = arith.addf %add3A_213, %mul3A_236 : vector<32xbf16>
        %add3A_238 = arith.constant 5 : i32
        %add3A_239 = vector.broadcast %add3A_238 : i32 to vector<16xi32>
        %add3A_240 = arith.addi %add3A_172, %add3A_239 : vector<16xi32>
        %gather3A_241 = tpu.vector_load_idx %arg6[%add3A_240] : memref<90000xf32, #tpu.memory_space<vmem>>[vector<16xi32>], vector<16xf32>,
        %add3A_242 = arith.constant 5 : i32
        %add3A_243 = vector.broadcast %add3A_242 : i32 to vector<16xi32>
        %add3A_244 = arith.addi %add3A_176, %add3A_243 : vector<16xi32>
        %gather3A_245 = tpu.vector_load_idx %arg6[%add3A_244] : memref<90000xf32, #tpu.memory_space<vmem>>[vector<16xi32>], vector<16xf32>,
        %bitcast3A_246 = vector.bitcast %gather3A_241 : vector<16xf32> to vector<32xbf16>
        %bitcast3A_247 = vector.bitcast %gather3A_245 : vector<16xf32> to vector<32xbf16>
        %mul3A_248 = arith.mulf %bitcast3A_246, %bitcast3A_247 : vector<32xbf16>
        %add3A_249 = arith.addf %add3A_225, %mul3A_248 : vector<32xbf16>
        %add3A_250 = arith.constant 6 : i32
        %add3A_251 = vector.broadcast %add3A_250 : i32 to vector<16xi32>
        %add3A_252 = arith.addi %add3A_172, %add3A_251 : vector<16xi32>
        %gather3A_253 = tpu.vector_load_idx %arg6[%add3A_252] : memref<90000xf32, #tpu.memory_space<vmem>>[vector<16xi32>], vector<16xf32>,
        %add3A_254 = arith.constant 6 : i32
        %add3A_255 = vector.broadcast %add3A_254 : i32 to vector<16xi32>
        %add3A_256 = arith.addi %add3A_176, %add3A_255 : vector<16xi32>
        %gather3A_257 = tpu.vector_load_idx %arg6[%add3A_256] : memref<90000xf32, #tpu.memory_space<vmem>>[vector<16xi32>], vector<16xf32>,
        %bitcast3A_258 = vector.bitcast %gather3A_253 : vector<16xf32> to vector<32xbf16>
        %bitcast3A_259 = vector.bitcast %gather3A_257 : vector<16xf32> to vector<32xbf16>
        %mul3A_260 = arith.mulf %bitcast3A_258, %bitcast3A_259 : vector<32xbf16>
        %add3A_261 = arith.addf %add3A_237, %mul3A_260 : vector<32xbf16>
        %add3A_262 = arith.constant 7 : i32
        %add3A_263 = vector.broadcast %add3A_262 : i32 to vector<16xi32>
        %add3A_264 = arith.addi %add3A_172, %add3A_263 : vector<16xi32>
        %gather3A_265 = tpu.vector_load_idx %arg6[%add3A_264] : memref<90000xf32, #tpu.memory_space<vmem>>[vector<16xi32>], vector<16xf32>,
        %add3A_266 = arith.constant 7 : i32
        %add3A_267 = vector.broadcast %add3A_266 : i32 to vector<16xi32>
        %add3A_268 = arith.addi %add3A_176, %add3A_267 : vector<16xi32>
        %gather3A_269 = tpu.vector_load_idx %arg6[%add3A_268] : memref<90000xf32, #tpu.memory_space<vmem>>[vector<16xi32>], vector<16xf32>,
        %bitcast3A_270 = vector.bitcast %gather3A_265 : vector<16xf32> to vector<32xbf16>
        %bitcast3A_271 = vector.bitcast %gather3A_269 : vector<16xf32> to vector<32xbf16>
        %mul3A_272 = arith.mulf %bitcast3A_270, %bitcast3A_271 : vector<32xbf16>
        %add3A_273 = arith.addf %add3A_249, %mul3A_272 : vector<32xbf16>
        %add3A_274 = arith.addf %add3A_261, %add3A_273 : vector<32xbf16>
        %unpack3A = tpu.unpack_subelements %add3A_274, 0 {pack_format = #tpu.pack_format<interleaved>} : vector<32xbf16> -> vector<16xf32>
        %unpack3A_275 = tpu.unpack_subelements %add3A_274, 1 {pack_format = #tpu.pack_format<interleaved>} : vector<32xbf16> -> vector<16xf32>
        %add3A_276 = arith.addf %unpack3A, %unpack3A_275 : vector<16xf32>
        %mul3A_277 = arith.constant 16 : i32
        %mul3A_278 = arith.muli %scan3A_162, %mul3A_277 : i32
        %swap3A = arith.index_cast %mul3A_278 : i32 to index
        %swap3A_279 = tpu.vector_load %arg12[%swap3A] {strides = array<i32>} : memref<4000xf32, #tpu.memory_space<vmem>>, vector<16xf32>,
        tpu.vector_store %arg12[%swap3A], %add3A_276 {strides = array<i32>} : memref<4000xf32, #tpu.memory_space<vmem>>, vector<16xf32>,
      }
      %scan3A_156 = arith.constant 250 : i32
      %mul3A_157 = arith.constant 640000 : i32
      %mul3A_158 = arith.muli %select_n3A_9, %mul3A_157 : i32
      %add3A_159 = arith.addi %mul3A_158, %add3A_130 : i32
      %dma_start3A_160 = tpu.memref_slice %arg5[%add3A_159] : memref<5120000xf32, #tpu.memory_space<hbm>> -> memref<4000xf32, #tpu.memory_space<hbm>>
      %dma_start3A_161 = tpu.memref_slice %arg5[%add3A_159] : memref<5120000xf32, #tpu.memory_space<hbm>> -> memref<4000xf32, #tpu.memory_space<hbm>>
      tpu.enqueue_dma source(%arg12 : memref<4000xf32, #tpu.memory_space<vmem>>) target(%dma_start3A_161 : memref<4000xf32, #tpu.memory_space<hbm>>) target_semaphore(%arg16 : memref<!tpu.dma_semaphore, #tpu.memory_space<semaphore_mem>>)
    }
    %scan3A_78 = arith.constant 20 : i32
    %dma_wait3A = arith.constant 0 : i32
    %dma_wait3A_79 = tpu.memref_slice %arg5[%dma_wait3A] : memref<5120000xf32, #tpu.memory_space<hbm>> -> memref<4000xf32, #tpu.memory_space<hbm>>
    %dma_wait3A_80 = arith.constant 0 : i32
    %dma_wait3A_81 = tpu.memref_slice %arg5[%dma_wait3A_80] : memref<5120000xf32, #tpu.memory_space<hbm>> -> memref<4000xf32, #tpu.memory_space<hbm>>
    tpu.wait_dma2 semaphore(%arg15 : memref<!tpu.dma_semaphore, #tpu.memory_space<semaphore_mem>>) src(%arg11 : memref<4000xf32, #tpu.memory_space<vmem>>) dst(%dma_wait3A_81 : memref<4000xf32, #tpu.memory_space<hbm>>)
    %dma_wait3A_82 = arith.constant 0 : i32
    %dma_wait3A_83 = tpu.memref_slice %arg5[%dma_wait3A_82] : memref<5120000xf32, #tpu.memory_space<hbm>> -> memref<4000xf32, #tpu.memory_space<hbm>>
    %dma_wait3A_84 = arith.constant 0 : i32
    %dma_wait3A_85 = tpu.memref_slice %arg5[%dma_wait3A_84] : memref<5120000xf32, #tpu.memory_space<hbm>> -> memref<4000xf32, #tpu.memory_space<hbm>>
    tpu.wait_dma2 semaphore(%arg16 : memref<!tpu.dma_semaphore, #tpu.memory_space<semaphore_mem>>) src(%arg12 : memref<4000xf32, #tpu.memory_space<vmem>>) dst(%dma_wait3A_85 : memref<4000xf32, #tpu.memory_space<hbm>>)
    return
  }
}

module attributes {stable_mosaic.version = 14 : i64} {
  func.func @_tc_loss_kernel(%arg0: i32, %arg1: memref<8x1x2500x128xf32, #tpu.memory_space<vmem>>, %arg2: memref<1x2xf32, #tpu.memory_space<smem>>) attributes {dimension_semantics = [#tpu.dimension_semantics<arbitrary>], iteration_bounds = array<i64: 2>, scalar_prefetch = 0 : i64, scratch_operands = 0 : i64, tpu.core_type = #tpu.core_type<tc>, window_params = [{transform_indices = @transform_0, window_bounds = array<i64: 8, 1, 2500, 128>}, {transform_indices = @transform_1, window_bounds = array<i64: 1, 2>}]} {
    %eq3A = arith.constant 0 : i32
    %eq3A_0 = arith.cmpi eq, %arg0, %eq3A : i32
    %convert_element_type3A = arith.extui %eq3A_0 : i1 to i32
    %cond3A = arith.constant 0 : i32
    %cond3A_1 = arith.cmpi ne, %convert_element_type3A, %cond3A : i32
    scf.if %cond3A_1 {
      %swap3A_45 = arith.constant 0.000000e+00 : f32
      %swap3A_46 = arith.constant 0 : index
      %swap3A_47 = arith.constant 0 : index
      %swap3A_48 = memref.load %arg2[%swap3A_46, %swap3A_47] : memref<1x2xf32, #tpu.memory_space<smem>>
      memref.store %swap3A_45, %arg2[%swap3A_46, %swap3A_47] : memref<1x2xf32, #tpu.memory_space<smem>>
      %swap3A_49 = arith.constant 0.000000e+00 : f32
      %swap3A_50 = arith.constant 0 : index
      %swap3A_51 = arith.constant 1 : index
      %swap3A_52 = memref.load %arg2[%swap3A_50, %swap3A_51] : memref<1x2xf32, #tpu.memory_space<smem>>
      memref.store %swap3A_49, %arg2[%swap3A_50, %swap3A_51] : memref<1x2xf32, #tpu.memory_space<smem>>
    } else {
    }
    %get3A = arith.constant 0 : index
    %get3A_2 = arith.constant 0 : index
    %get3A_3 = arith.constant 0 : index
    %get3A_4 = arith.constant 0 : index
    %get3A_5 = vector.load %arg1[%get3A, %get3A_2, %get3A_3, %get3A_4] : memref<8x1x2500x128xf32, #tpu.memory_space<vmem>>, vector<8x1x2500x128xf32>
    %get3A_6 = vector.shape_cast %get3A_5 : vector<8x1x2500x128xf32> to vector<8x2500x128xf32>
    %reduce_sum3A = arith.constant dense<0.000000e+00> : vector<2500x128xf32>
    %reduce_sum3A_7 = vector.multi_reduction <add>, %get3A_6, %reduce_sum3A [0] : vector<8x2500x128xf32> to vector<2500x128xf32>
    %neg3A = arith.constant 0.000000e+00 : f32
    %neg3A_8 = vector.broadcast %neg3A : f32 to vector<2500x128xf32>
    %neg3A_9 = arith.subf %neg3A_8, %reduce_sum3A_7 : vector<2500x128xf32>
    %exp3A = math.exp %neg3A_9 : vector<2500x128xf32>
    %add3A = arith.constant 1.000000e+00 : f32
    %add3A_10 = vector.broadcast %add3A : f32 to vector<2500x128xf32>
    %add3A_11 = arith.addf %add3A_10, %exp3A : vector<2500x128xf32>
    %div3A = arith.constant 1.000000e+00 : f32
    %div3A_12 = vector.broadcast %div3A : f32 to vector<2500x128xf32>
    %div3A_13 = arith.divf %div3A_12, %add3A_11 : vector<2500x128xf32>
    %eq3A_14 = arith.constant 0 : i32
    %eq3A_15 = arith.cmpi eq, %arg0, %eq3A_14 : i32
    %add3A_16 = arith.constant 1.000000e-15 : f32
    %add3A_17 = vector.broadcast %add3A_16 : f32 to vector<2500x128xf32>
    %add3A_18 = arith.addf %div3A_13, %add3A_17 : vector<2500x128xf32>
    %log3A = math.log %add3A_18 : vector<2500x128xf32>
    %reduce_sum3A_19 = vector.shape_cast %log3A : vector<2500x128xf32> to vector<1x2500x128xf32>
    %reduce_sum3A_20 = arith.constant dense<0.000000e+00> : vector<1xf32>
    %reduce_sum3A_21 = vector.multi_reduction <add>, %reduce_sum3A_19, %reduce_sum3A_20 [1, 2] : vector<1x2500x128xf32> to vector<1xf32>
    %reduce_sum3A_22 = vector.shape_cast %reduce_sum3A_21 : vector<1xf32> to vector<1x1x1xf32>
    %reduce_sum3A_23 = vector.extract %reduce_sum3A_22[0, 0, 0] : f32 from vector<1x1x1xf32>
    %sub3A = arith.constant 1.000000e+00 : f32
    %sub3A_24 = vector.broadcast %sub3A : f32 to vector<2500x128xf32>
    %sub3A_25 = arith.subf %sub3A_24, %div3A_13 : vector<2500x128xf32>
    %add3A_26 = arith.constant 1.000000e-15 : f32
    %add3A_27 = vector.broadcast %add3A_26 : f32 to vector<2500x128xf32>
    %add3A_28 = arith.addf %sub3A_25, %add3A_27 : vector<2500x128xf32>
    %log3A_29 = math.log %add3A_28 : vector<2500x128xf32>
    %reduce_sum3A_30 = vector.shape_cast %log3A_29 : vector<2500x128xf32> to vector<1x2500x128xf32>
    %reduce_sum3A_31 = arith.constant dense<0.000000e+00> : vector<1xf32>
    %reduce_sum3A_32 = vector.multi_reduction <add>, %reduce_sum3A_30, %reduce_sum3A_31 [1, 2] : vector<1x2500x128xf32> to vector<1xf32>
    %reduce_sum3A_33 = vector.shape_cast %reduce_sum3A_32 : vector<1xf32> to vector<1x1x1xf32>
    %reduce_sum3A_34 = vector.extract %reduce_sum3A_33[0, 0, 0] : f32 from vector<1x1x1xf32>
    %select_n3A = arith.select %eq3A_15, %reduce_sum3A_23, %reduce_sum3A_34 : f32
    %eq3A_35 = arith.constant 0 : i32
    %eq3A_36 = arith.cmpi eq, %arg0, %eq3A_35 : i32
    %jit3A = arith.constant 0 : i32
    %jit3A_37 = arith.constant 1 : i32
    %select_n3A_38 = arith.select %eq3A_36, %jit3A, %jit3A_37 : i32
    %get3A_39 = arith.constant 0 : index
    %get3A_40 = arith.index_cast %select_n3A_38 : i32 to index
    %get3A_41 = memref.load %arg2[%get3A_39, %get3A_40] : memref<1x2xf32, #tpu.memory_space<smem>>
    %add3A_42 = arith.addf %get3A_41, %select_n3A : f32
    %swap3A = arith.constant 0 : index
    %swap3A_43 = arith.index_cast %select_n3A_38 : i32 to index
    %swap3A_44 = memref.load %arg2[%swap3A, %swap3A_43] : memref<1x2xf32, #tpu.memory_space<smem>>
    memref.store %add3A_42, %arg2[%swap3A, %swap3A_43] : memref<1x2xf32, #tpu.memory_space<smem>>
    return
  }
  func.func @transform_0(%arg0: i32) -> (i32, i32, i32, i32) {
    %c0_i32 = arith.constant 0 : i32
    %c0_i32_0 = arith.constant 0 : i32
    %c0_i32_1 = arith.constant 0 : i32
    %c0_i32_2 = arith.constant 0 : i32
    return %c0_i32, %arg0, %c0_i32_0, %c0_i32_1 : i32, i32, i32, i32
  }
  func.func @transform_1(%arg0: i32) -> (i32, i32) {
    %c0_i32 = arith.constant 0 : i32
    %c0_i32_0 = arith.constant 0 : i32
    %c0_i32_1 = arith.constant 0 : i32
    return %c0_i32, %c0_i32_0 : i32, i32
  }
}

</mosaic_0001>

<sc_bundles>
// kernel: kernel.4.cloned.1.call-start
scs
__scs_entry_jumppad:
0x0: {  	(pc) =	sbr.rel $0x88, $3  }
0x1: {  	(tag) =	ssettag $0x0;
	lr =	simm.s32 $0x1  }
0x2: {  	[smem:$0x3F9E] =	sst lr;
	_ =	strace $0xD0000000  }
0x3: {  	_ = 	snop  }
0x4: {  	_ = 	snop  }
0x5: {  	_ = 	snop  }
0x6: {  	_ = 	snop  }
0x7: {  	_ = 	snop  }
__scs_overlays_trampoline_lowered:
0x8: {  	[smem:$0x3FAD] =	sst s0  }
0x9: {  	[smem:$0x3FAE] =	sst s1  }
0xa: {  	[smem:$0x3FAF] =	sst s2  }
0xb: {  	[smem:$0x3FB0] =	sst s3  }
0xc: {  	[smem:$0x3FB1] =	sst s4  }
0xd: {  	[smem:$0x3FB2] =	sst s5  }
0xe: {  	[smem:$0x3FB3] =	sst s6  }
0xf: {  	[smem:$0x3FB4] =	sst s7  }
0x10: {  	[smem:$0x3FB5] =	sst s8  }
0x11: {  	[smem:$0x3FB6] =	sst s9;
	s0 =	simm.s32 @!p0 $0x0  }
0x12: {  	s1 =	sld [smem:$0x3F9C];
	s0 =	simm.s32 @p0 $0x1  }
0x13: {  	[smem:$0x3FB7] =	sst s0;
	s0 =	simm.s32 @!p1 $0x0  }
0x14: {  	s2 =	sld [smem:$0x3F9B];
	s0 =	simm.s32 @p1 $0x1  }
0x15: {  	[smem:$0x3FB8] =	sst s0;
	s0 =	simm.s32 @!p2 $0x0  }
0x16: {  	s3 =	sld [smem:$0x3FDB];
	s0 =	simm.s32 @p2 $0x1  }
0x17: {  	s4 =	simm.s32 $0x1BF5;
	[smem:$0x3FBA] =	sst s0  }
0x18: {  	s0 =	sld [smem:$0x3F9D];
	_ =	swait.ge [sflag:s4], $0x0  }
0x19: {  	s7 =	sld [smem:$0x3F9E]  }
0x1a: {  	s8 =	sadd.s32 $0xFFFFE003, lr  }
0x1b: {  	s9 =	sadd.s32 $0xFFFFFEF7, lr;
	s5 =	simm.s32 $0xFFFFFFFF;
	p2 =	slt.u32 s8, $0xFFFFF086  }
0x1c: {  	p1 =	slt.u32 s9, $0xF7A;
	s5 =	simm.s32 @!p2 $0x0  }
0x1d: {  	s5 =	simm.s32 @p1 $0x1;
	p0 =	seq.s32 s7, s2  }
0x1e: {  	s7 =	smul.u32 @!p0 $0xF7A, s2;
	p2 =	seq.s32 @!p0 s5, $0x0  }
0x1f: {  	s9 =	smul.u32 $0xF7A, s1;
	s8 =	simm.s32 @!p0 $0x1BF5;
	p2 =	por !p2, p0  }
0x20: {  	[sflag:s8] =	ssyncset.s32 @!p0 $0xFFFFF086;
	s6 =	sadd.s32 @!p0 s3, s7;
	s7 =	simm.s32 @!p0 $0x108  }
0x21: {  	s3 =	sadd.s32 s3, s9;
	s6 =	sadd.s32 @!p0 $0x88, s6;
	s7 =	simm.s32 @p2 $0x1082  }
0x22: {  	[simem:s7], [sflag:s8] =	dma.local @!p0 [hbm:s6], $0xF7A  }
0x23: {  	s9 =	sor.u32 $0xD0000000, s2;
	s6 =	simm.s32 $0x108;
	_ =	swait.ge @!p0 [sflag:s8], $0x0  }
0x24: {  	s3 =	sadd.s32 $0x88, s3;
	s6 =	simm.s32 @!p1 $0x1082;
	[sflag:s4] =	ssyncset.s32 $0xFFFFF086  }
0x25: {  	[simem:s6], [sflag:s4] =	dma.local [hbm:s3], $0xF7A  }
0x26: {  	[smem:$0x3F9E] =	sst s1;
	(tag) =	ssettag s2;
	_ =	strace s9  }
0x27: {  	s1 =	sld [smem:$0x3FAE]  }
0x28: {  	s2 =	sld [smem:$0x3FAF]  }
0x29: {  	s4 =	sld [smem:$0x3FB1]  }
0x2a: {  	p0 =	seq.s32 s5, $0x0;
	s5 =	sld [smem:$0x3FB2]  }
0x2b: {  	s6 =	sld [smem:$0x3FB3]  }
0x2c: {  	s7 =	sld [smem:$0x3FB4]  }
0x2d: {  	s3 =	simm.s32 $0x108;
	s8 =	sld [smem:$0x3FB5]  }
0x2e: {  	s3 =	simm.s32 @!p0 $0x1082;
	s9 =	sld [smem:$0x3FB6]  }
0x2f: {  	lr =	sadd.s32 s0, s3;
	s0 =	sld [smem:$0x3FAD]  }
0x30: {  	s3 =	sld [smem:$0x3FB0]  }
0x31: {  	[smem:$0x3FB9] =	sst s10  }
0x32: {  	s10 =	sld [smem:$0x3FB7];
	_ =	sdelay $0x3  }
0x33: {  	p0 =	seq.s32 s10, $0x1;
	s10 =	sld [smem:$0x3FB9];
	_ =	sdelay $0x3  }
0x34: {  	[smem:$0x3FB9] =	sst s10  }
0x35: {  	s10 =	sld [smem:$0x3FB8];
	_ =	sdelay $0x3  }
0x36: {  	p1 =	seq.s32 s10, $0x1;
	s10 =	sld [smem:$0x3FB9];
	_ =	sdelay $0x3  }
0x37: {  	[smem:$0x3FB9] =	sst s10  }
0x38: {  	s10 =	sld [smem:$0x3FBA]  }
0x39: {  	_ = 	snop;
	(pc) =	sbr.ind lr, $3  }
0x3a: {  	_ = 	snop  }
0x3b: {  	_ = 	snop  }
0x3c: {  	p2 =	seq.s32 s10, $0x1;
	s10 =	sld [smem:$0x3FB9]  }
0x3d: {  	_ =	shalt  }
0x3e: {  	_ =	shalt  }
0x3f: {  	_ =	shalt  }
0x40: {  	_ =	shalt  }
0x41: {  	_ =	shalt  }
0x42: {  	_ =	shalt  }
0x43: {  	_ =	shalt  }
0x44: {  	_ =	shalt  }
0x45: {  	_ =	shalt  }
0x46: {  	_ =	shalt  }
0x47: {  	_ =	shalt  }
0x48: {  	_ =	shalt  }
0x49: {  	_ =	shalt  }
0x4a: {  	_ =	shalt  }
0x4b: {  	_ =	shalt  }
0x4c: {  	_ =	shalt  }
0x4d: {  	_ =	shalt  }
0x4e: {  	_ =	shalt  }
0x4f: {  	_ =	shalt  }
0x50: {  	_ =	shalt  }
0x51: {  	_ =	shalt  }
0x52: {  	_ =	shalt  }
0x53: {  	_ =	shalt  }
0x54: {  	_ =	shalt  }
0x55: {  	_ =	shalt  }
0x56: {  	_ =	shalt  }
0x57: {  	_ =	shalt  }
0x58: {  	_ =	shalt  }
0x59: {  	_ =	shalt  }
0x5a: {  	_ =	shalt  }
0x5b: {  	_ =	shalt  }
0x5c: {  	_ =	shalt  }
0x5d: {  	_ =	shalt  }
0x5e: {  	_ =	shalt  }
0x5f: {  	_ =	shalt  }
0x60: {  	_ =	shalt  }
0x61: {  	_ =	shalt  }
0x62: {  	_ =	shalt  }
0x63: {  	_ =	shalt  }
0x64: {  	_ =	shalt  }
0x65: {  	_ =	shalt  }
0x66: {  	_ =	shalt  }
0x67: {  	_ =	shalt  }
0x68: {  	_ =	shalt  }
0x69: {  	_ =	shalt  }
0x6a: {  	_ =	shalt  }
0x6b: {  	_ =	shalt  }
0x6c: {  	_ =	shalt  }
0x6d: {  	_ =	shalt  }
0x6e: {  	_ =	shalt  }
0x6f: {  	_ =	shalt  }
0x70: {  	_ =	shalt  }
0x71: {  	_ =	shalt  }
0x72: {  	_ =	shalt  }
0x73: {  	_ =	shalt  }
0x74: {  	_ =	shalt  }
0x75: {  	_ =	shalt  }
0x76: {  	_ =	shalt  }
0x77: {  	_ =	shalt  }
0x78: {  	_ =	shalt  }
0x79: {  	_ =	shalt  }
0x7a: {  	_ =	shalt  }
0x7b: {  	_ =	shalt  }
0x7c: {  	_ =	shalt  }
0x7d: {  	_ =	shalt  }
0x7e: {  	_ =	shalt  }
0x7f: {  	_ =	shalt  }
0x80: {  	_ =	shalt  }
0x81: {  	_ =	shalt  }
0x82: {  	_ =	shalt  }
0x83: {  	_ =	shalt  }
0x84: {  	_ =	shalt  }
0x85: {  	_ =	shalt  }
0x86: {  	_ =	shalt  }
0x87: {  	_ =	shalt  }
.Lfunc_end0:
.L_simem_size_0:
called_computation_lowered:
.L_overlay_start_0:
0x88: {  	s2 =	sld [smem:$0x3FD9]  }
0x89: {  	s3 =	sld [smem:$0x3FFE];
	_ =	sdelay $0x1  }
0x8a: {  	s1 =	srdreg.scid  }
0x8b: {  	s0 =	sand.u32 $0x1, s1  }
0x8c: {  	s16 =	sshll.u32 s0, $0xA;
	s2 =	sadd.s32 s3, s2  }
0x8d: {  	s2 =	sadd.s32 s2, s16  }
0x8e: {  	[smem:$0x3FC5] =	sst s2  }
0x8f: {  	_ = 	snop  }
0x90: {  	(tm) =	ssettm $0x1  }
0x91: {  	s17 =	sld [smem:$0x3FFB];
	_ =	sdelay $0x3  }
0x92: {  	_ =	strace s17  }
0x93: {  	s2 =	sld [smem:$0x3FFC];
	_ =	sdelay $0x3  }
0x94: {  	_ =	strace s2  }
0x95: {  	s2 =	sld [smem:$0x3FFD];
	_ =	sdelay $0x3  }
0x96: {  	_ =	strace s2  }
0x97: {  	_ =	strace $0x8FFFFFFF  }
0x98: {  	s18 =	sld [smem:$0x3FDB];
	_ =	sdelay $0x1  }
0x99: {  	s19 =	simm.s32 $_scs_section_size  }
0x9a: {  	s4 =	simm.s32 $_size__tile_overlayer_lowered;
	s5 =	simm.s32 $_tile_overlayer_lowered  }
0x9b: {  	s22 =	simm.s32 $0x1BFF;
	s21 =	sshll.u32 s5, $0x1;
	s2 =	sadd.s32 s19, s18  }
0x9c: {  	s6 =	simm.s32 $0x0;
	s20 =	sshll.u32 s4, $0x1;
	s4 =	sadd.s32 s21, s2  }
0x9d: {  	[timem:s6], [sflag:s22] =	dma.local [hbm:s4], s20  }
0x9e: {  	_ =	swait.ge [sflag:s22], s20  }
0x9f: {  	s3 =	ssub.s32 $0x0, s20;
	[sflag:s22] =	ssyncset.done $0x0  }
0xa0: {  	[sflag:s22] =	ssyncadd.s32 s3;
	_ =	sdelay $0x1  }
0xa1: {  	s23 =	simm.s32 $0x1B8B  }
0xa2: {  	_ =	swait.ge [sflag:s23], $0x1  }
0xa3: {  	[sflag:s23] =	ssyncset.done $0x0  }
0xa4: {  	s25 =	simm.s32 $0x1B8E;
	s24 =	sld [smem:$0x3FFE];
	[sflag:s23] =	ssyncadd.s32 $0xFFFFFFFF  }
0xa5: {  	s26 =	simm.s32 $execute0_lowered;
	[smem:$0x3FD2] =	sst s25  }
0xa6: {  	s4 =	sshll.u32 s26, $0x1;
	_ =	strace $0x80000046;
	[dreg:$0x1] =	wrdreg $0xFFFFFFFF  }
0xa7: {  	s28 =	simm.s32 $_size_execute0_lowered;
	s2 =	sadd.s32 s2, s4;
	[dreg:$0x0] =	wrdreg $0x0  }
0xa8: {  	s4 =	sshll.u32 s28, $0x1;
	[dreg:$0x2] =	wrdreg s2  }
0xa9: {  	[dreg:$0x3] =	wrdreg s4  }
0xaa: {  	[dreg:$0x4] =	wrdreg $0xC0  }
0xab: {  	_ =	task [dreg:s6], $0x5FFFF  }
0xac: {  	[dreg:$0x1] =	wrdreg $0xFFFFFFFF  }
0xad: {  	[dreg:$0x0] =	wrdreg $0x60  }
0xae: {  	[dreg:$0x2] =	wrdreg s24  }
0xaf: {  	[dreg:$0x3] =	wrdreg $0x9  }
0xb0: {  	_ =	task.clear_ibuf [dreg:s6], $0x4FFFF;
	_ =	strace $0x90000046  }
0xb1: {  	s29 =	simm.s32 $0x9;
	_ =	strace $0x80000048  }
0xb2: {  	_ =	swait.ge [sflag:s29], $0x1  }
0xb3: {  	[sflag:s29] =	ssyncadd.s32 $0xFFFFFFFF  }
0xb4: {  	_ =	strace $0x90000048  }
0xb5: {  	_ =	sfence  }
0xb6: {  	s30 =	sld [smem:$0x0];
	_ =	sdelay $0x2  }
0xb7: {  	s31 =	sshll.u32 s1, $0xD;
	s1 =	sshrl.u32 s1, $0x2  }
0xb8: {  	s3 =	sand.u32 $0x4000, s31;
	s1 =	sadd.s32 s1, s30  }
0xb9: {  	s0 =	sor.u32 s3, s0;
	s1 =	sshll.u32 s1, $0x11  }
0xba: {  	s0 =	sor.u32 s1, s0  }
0xbb: {  	s0 =	sadd.s32 $0x8F2B, s0  }
0xbc: {  	[sflag:s0] =	ssyncadd.remote.s32 $0x1  }
0xbd: {  	_ =	sfence.sel $0xFFFF  }
0xbe: {  	[dreg:$0x0] =	wrdreg $0xFFFFFFFF;
	(pc) =	sbr.abs _section_cstart, $3  }
0xbf: {  	[dreg:$0x1] =	wrdreg $0xFFFFFFFF  }
0xc0: {  	_ =	task.clear_ibuf [dreg:s6], $0x2FFFF;
	_ =	strace $0x9FFFFFFF  }
0xc1: {  	(tm) =	ssettm $0x7FFFFFFF  }
tec
execute0_lowered:
.L_overlay_start_1:
0x0: {  	(tag) =	ssettag $0x1  }
0x1: {  	s0 =	stileid.u32;
	s1 =	srdreg.scid  }
0x2: {  	s8 =	rddreg [dreg:$0x0];
	s10 =	simm.s32 $0x2A000;
	s15 =	simm.s32 $0x5  }
0x3: {  	s16 =	simm.s32 $0x16000;
	s17 =	simm.s32 $0x18000;
	s18 =	simm.s32 $0x17000  }
0x4: {  	s19 =	simm.s32 $0x19000;
	s20 =	simm.s32 $0x1;
	s21 =	simm.s32 $0x1A000  }
0x5: {  	s22 =	simm.s32 $0x2;
	s23 =	simm.s32 $0x1B000;
	s24 =	simm.s32 $0x3  }
0x6: {  	s25 =	simm.s32 $0x4;
	s26 =	simm.s32 $0x0;
	s2 =	sshll.u32 s0, $0x1  }
0x7: {  	s1 =	sand.u32 $0x1, s1;
	s6 =	sshrl.u32 s0, $0x2;
	s3 =	sand.u32 $0x6, s2  }
0x8: {  	s2 =	simm.s32 $0x0;
	s9 =	sand.u32 $0x1, s6;
	s6 =	smul.u32 $0x27100, s6  }
0x9: {  	s5 =	sor.u32 s1, s3;
	[smem:$0x7FF] =	sst s2;
	s1 =	ssub.s32 $0x2, s1  }
0xa: {  	p0 =	seq.s32 s9, $0x1;
	s3 =	smul.u32 $0x2BF2, s5;
	s7 =	sshrl.u32 s1, $0x1  }
0xb: {  	_ =	strace $0x80000047;
	s31 =	smul.u32 $0x9C400, s5;
	s1 =	ssub.s32 s1, s7  }
0xc: {  	s7 =	simm.s32 $0x27100;
	s4 =	sadd.s32 s3, s8;
	s3 =	sadd.s32 $0x3DA00, s8  }
0xd: {  	s7 =	simm.s32 @!p0 $0x0;
	p0 =	sgt.u32 s0, $0x7;
	s6 =	sadd.s32 s6, s31  }
0xe: {  	s4 =	sadd.s32 $0x600, s4;
	s11 =	sshrl.u32 s7, $0x3;
	s10 =	simm.s32 @!p0 $0x16600  }
0xf: {  	s5 =	sadd.s32 $0x1F40, s7;
	s7 =	sadd.s32 $0x2EE0, s7;
	s8 =	sadd.s32 s10, s8  }
0x10: {  	s9 =	sadd.s32 $0xFA0, s6;
	s10 =	smax.u32 s1, $0x1;
	s11 =	sadd.s32 s8, s11  }
0x11: {  	v0 =	vimm.bf16 $0.0e+00;
	s12 =	sadd.s32 $0x9C40, s11;
	s13 =	sadd.s32 $0x1F4, s11;
	s14 =	sadd.s32 $0x9E34, s11  }
.LBB2_1:
0x12: {  	[tilespmem:s2], [sflag:$0x5] =	stream.linear.gather [hbm4b:s4+s2], $0x15F90, $0x38;
	[tilespmem:$0x1C000] =	vst v63  }
0x13: {  	_ =	swait.ge [sflag:s15], $0x15F90  }
0x14: {  	[sflag:s15] =	ssyncset.done $0x0  }
0x15: {  	[sflag:s15] =	ssyncadd.s32 $0xFFFEA070  }
0x16: {  	[tilespmem:s16], [sflag:$0x1] =	stream.linear.gather [hbm4b:s11+s2], $0xFA0, $0x38;
	[tilespmem:$0x1C000] =	vst v63  }
0x17: {  	_ = 	snop  }
0x18: {  	[tilespmem:s17], [sflag:$0x1] =	stream.linear.gather [hbm4b:s12+s2], $0xFA0, $0x38;
	[tilespmem:$0x1C000] =	vst v63  }
0x19: {  	_ = 	snop  }
0x1a: {  	[tilespmem:s18], [sflag:$0x2] =	stream.linear.gather [hbm4b:s13+s2], $0xFA0, $0x38;
	[tilespmem:$0x1C000] =	vst v63  }
0x1b: {  	s28 =	simm.s32 $0x0  }
0x1c: {  	[tilespmem:s19], [sflag:$0x2] =	stream.linear.gather [hbm4b:s14+s2], $0xFA0, $0x38;
	[tilespmem:$0x1C000] =	vst v63  }
.LBB2_2:
0x1d: {  	_ =	swait.ge [sflag:s20], $0xFA0  }
0x1e: {  	s29 =	smul.u32 $0x1F40, s28;
	p0 =	seq.s32 s28, $0x13;
	[sflag:s20] =	ssyncset.done $0x0  }
0x1f: {  	s30 =	simm.s32 @!p0 $0x0;
	p1 =	seq.s32 @!p0 s28, $0x0;
	[sflag:s20] =	ssyncadd.s32 $0xFFFFF060  }
0x20: {  	s1 =	sadd.s32 @!p0 s29, s5;
	p1 =	por p0, !p1;
	_ =	swait.ge [sflag:s20], $0xFA0  }
.Ltmp0:
0x21: {  	s1 =	sshrl.u32 @!p0 s1, $0x3;
	[sflag:s20] =	ssyncset.done $0x0;
	(pc) =	sbr.rel @!p1 .LBB2_3-.Ltmp0, $4  }
0x22: {  	s31 =	simm.s32 @!p0 $0x16000;
	s1 =	sadd.s32 @!p0 s8, s1;
	[sflag:s20] =	ssyncadd.s32 $0xFFFFF060  }
0x23: {  	[tilespmem:s31], [sflag:$0x1] =	stream.linear.gather @!p0 [hbm4b:s1+s30], $0xFA0, $0x38;
	[tilespmem:$0x1C000] =	vst v63  }
0x24: {  	s1 =	sadd.s32 @!p0 $0x9C40, s1;
	s31 =	simm.s32 @!p0 $0x18000  }
0x25: {  	[tilespmem:s31], [sflag:$0x1] =	stream.linear.gather @!p0 [hbm4b:s1+s30], $0xFA0, $0x38;
	[tilespmem:$0x1C000] =	vst v63  }
.Ltmp1:
0x26: {  	(pc) =	sbr.rel .LBB2_5-.Ltmp1, $4  }
0x27: {  	_ = 	snop  }
0x28: {  	_ =	swait.ge [sflag:s24], $0xFA0  }
0x29: {  	[sflag:s24] =	ssyncset.done $0x0  }
0x2a: {  	p1 =	por $0x0, $0x0;
	[sflag:s24] =	ssyncadd.s32 $0xFFFFF060  }
.LBB2_3:
0x2b: {  	p1 =	por @!p0 $0x1, $0x1  }
.LBB2_5:
0x2c: {  	s30 =	simm.s32 $0x0  }
0x2d: {  	v1 =	vld [tilespmem:s30+$0x18000]  }
0x2e: {  	v2 =	vld [tilespmem:s30+$0x16000];
	_ =	sdelay $0x3  }
0x2f: {  	v1 =	vmul.u32 $0x9, v1  }
0x30: {  	v2 =	vmul.u32 $0x9, v2;
	_ =	sdelay $0x1  }
0x31: {  	v3 =	vadd.s32 $0x7, v1  }
0x32: {  	v4 =	vadd.s32 $0x7, v2  }
0x33: {  	v5 =	vadd.s32 $0x5, v1  }
0x34: {  	v6 =	vadd.s32 $0x5, v2;
	v14 =	vld.idx.msk [tilespmem:v1+s2+$0x0], $0xffff  }
0x35: {  	v7 =	vadd.s32 $0x3, v1;
	v16 =	vld.idx.msk [tilespmem:v2+s2+$0x0], $0xffff  }
0x36: {  	v8 =	vadd.s32 $0x3, v2;
	v3 =	vld.idx.msk [tilespmem:v3+s2+$0x0], $0xffff  }
0x37: {  	v9 =	vadd.s32 $0x1, v1;
	v4 =	vld.idx.msk [tilespmem:v4+s2+$0x0], $0xffff  }
0x38: {  	v10 =	vadd.s32 $0x1, v2;
	v5 =	vld.idx.msk [tilespmem:v5+s2+$0x0], $0xffff  }
0x39: {  	v11 =	vadd.s32 $0x2, v1;
	v6 =	vld.idx.msk [tilespmem:v6+s2+$0x0], $0xffff  }
0x3a: {  	v12 =	vadd.s32 $0x2, v2;
	v7 =	vld.idx.msk [tilespmem:v7+s2+$0x0], $0xffff  }
0x3b: {  	v13 =	vadd.s32 $0x4, v1;
	v8 =	vld.idx.msk [tilespmem:v8+s2+$0x0], $0xffff  }
0x3c: {  	v15 =	vadd.s32 $0x4, v2;
	v9 =	vld.idx.msk [tilespmem:v9+s2+$0x0], $0xffff  }
0x3d: {  	v1 =	vadd.s32 $0x6, v1;
	v10 =	vld.idx.msk [tilespmem:v10+s2+$0x0], $0xffff  }
0x3e: {  	v2 =	vadd.s32 $0x6, v2;
	v11 =	vld.idx.msk [tilespmem:v11+s2+$0x0], $0xffff  }
0x3f: {  	v12 =	vld.idx.msk [tilespmem:v12+s2+$0x0], $0xffff  }
0x40: {  	v13 =	vld.idx.msk [tilespmem:v13+s2+$0x0], $0xffff  }
0x41: {  	v15 =	vld.idx.msk [tilespmem:v15+s2+$0x0], $0xffff  }
0x42: {  	v1 =	vld.idx.msk [tilespmem:v1+s2+$0x0], $0xffff;
	v14 =	vmul.bf16 v14, v16;
	v9 =	vmul.bf16 v9, v10  }
0x43: {  	v2 =	vld.idx.msk [tilespmem:v2+s2+$0x0], $0xffff;
	v7 =	vmul.bf16 v7, v8  }
0x44: {  	v61 =	vmul.bf16 v11, v12;
	v8 =	vadd.bf16 v0, v14;
	v9 =	vadd.bf16 v0, v9  }
0x45: {  	s31 =	simm.s32 $0x10;
	v5 =	vmul.bf16 v5, v6  }
0x46: {  	v6 =	vld [tilespmem:s31+$0x18000];
	v62 =	vmul.bf16 v13, v15;
	v8 =	vadd.bf16 v61, v8;
	v7 =	vadd.bf16 v7, v9  }
0x47: {  	v63 =	vld [tilespmem:s31+$0x16000];
	v3 =	vmul.bf16 v3, v4  }
0x48: {  	v1 =	vmul.bf16 v1, v2;
	v4 =	vadd.bf16 v62, v8;
	v5 =	vadd.bf16 v5, v7;
	_ =	sdelay $0x1  }
0x49: {  	v4 =	vadd.bf16 v1, v4;
	v3 =	vadd.bf16 v3, v5  }
0x4a: {  	v2 =	vmul.u32 $0x9, v6  }
0x4b: {  	v1 =	vmul.u32 $0x9, v63;
	v6 =	vadd.bf16 v3, v4  }
0x4c: {  	v4 =	vadd.s32 $0x7, v2  }
0x4d: {  	s28 =	sadd.s32 $0x1, s28;
	s1 =	simm.s32 $0x80;
	v3 =	vadd.s32 $0x7, v1;
	v5 =	vunpack.i.u.bf16.f32 v6;
	v6 =	vunpack.i.l.bf16.f32 v6  }
.LBB2_6:
0x4e: {  	p2 =	sne.s32 s1, $0x3E40;
	v7 =	vadd.s32 $0x5, v2;
	v5 =	vadd.f32 v6, v5  }
0x4f: {  	v6 =	vadd.s32 $0x5, v1  }
0x50: {  	v8 =	vadd.s32 $0x3, v2;
	[tilespmem:s30+$0x1A000] =	vst v5;
	s30 =	smov.u32 s31  }
0x51: {  	v5 =	vadd.s32 $0x3, v1;
	v4 =	vld.idx.msk [tilespmem:v4+s2+$0x0], $0xffff  }
0x52: {  	v9 =	vadd.s32 $0x1, v2;
	v3 =	vld.idx.msk [tilespmem:v3+s2+$0x0], $0xffff  }
0x53: {  	v10 =	vadd.s32 $0x1, v1;
	v7 =	vld.idx.msk [tilespmem:v7+s2+$0x0], $0xffff  }
0x54: {  	v6 =	vld.idx.msk [tilespmem:v6+s2+$0x0], $0xffff  }
0x55: {  	v8 =	vld.idx.msk [tilespmem:v8+s2+$0x0], $0xffff  }
0x56: {  	v11 =	vadd.s32 $0x2, v2;
	v5 =	vld.idx.msk [tilespmem:v5+s2+$0x0], $0xffff  }
0x57: {  	v12 =	vadd.s32 $0x2, v1;
	v9 =	vld.idx.msk [tilespmem:v9+s2+$0x0], $0xffff  }
0x58: {  	v13 =	vadd.s32 $0x4, v2;
	v10 =	vld.idx.msk [tilespmem:v10+s2+$0x0], $0xffff  }
0x59: {  	v15 =	vadd.s32 $0x4, v1;
	v14 =	vld.idx.msk [tilespmem:v2+s2+$0x0], $0xffff  }
0x5a: {  	v2 =	vadd.s32 $0x6, v2;
	v16 =	vld.idx.msk [tilespmem:v1+s2+$0x0], $0xffff  }
0x5b: {  	v1 =	vadd.s32 $0x6, v1;
	v11 =	vld.idx.msk [tilespmem:v11+s2+$0x0], $0xffff  }
0x5c: {  	v12 =	vld.idx.msk [tilespmem:v12+s2+$0x0], $0xffff  }
0x5d: {  	v13 =	vld.idx.msk [tilespmem:v13+s2+$0x0], $0xffff  }
0x5e: {  	v15 =	vld.idx.msk [tilespmem:v15+s2+$0x0], $0xffff  }
0x5f: {  	v2 =	vld.idx.msk [tilespmem:v2+s2+$0x0], $0xffff  }
0x60: {  	v9 =	vmul.bf16 v9, v10;
	v14 =	vmul.bf16 v14, v16;
	v1 =	vld.idx.msk [tilespmem:v1+s2+$0x0], $0xffff  }
0x61: {  	v5 =	vmul.bf16 v8, v5  }
0x62: {  	v9 =	vadd.bf16 v0, v9;
	v8 =	vadd.bf16 v0, v14;
	v10 =	vmul.bf16 v11, v12  }
0x63: {  	s31 =	sshra.s32 s1, $0x2;
	v6 =	vmul.bf16 v7, v6  }
0x64: {  	v5 =	vadd.bf16 v5, v9;
	v8 =	vadd.bf16 v10, v8;
	v9 =	vmul.bf16 v13, v15;
	v7 =	vld [tilespmem:s31+$0x18000]  }
0x65: {  	v3 =	vmul.bf16 v4, v3;
	v10 =	vld [tilespmem:s31+$0x16000]  }
0x66: {  	v5 =	vadd.bf16 v6, v5;
	v4 =	vadd.bf16 v9, v8;
	v1 =	vmul.bf16 v2, v1;
	_ =	sdelay $0x1  }
.Ltmp2:
0x67: {  	v3 =	vadd.bf16 v3, v5;
	v4 =	vadd.bf16 v1, v4;
	(pc) =	sbr.rel @p2 .LBB2_6-.Ltmp2, $4  }
0x68: {  	v2 =	vmul.u32 $0x9, v7  }
0x69: {  	v6 =	vadd.bf16 v3, v4;
	v1 =	vmul.u32 $0x9, v10  }
0x6a: {  	v4 =	vadd.s32 $0x7, v2  }
0x6b: {  	s1 =	sadd.s32 $0x40, s1;
	v5 =	vunpack.i.u.bf16.f32 v6;
	v6 =	vunpack.i.l.bf16.f32 v6;
	v3 =	vadd.s32 $0x7, v1  }
0x6c: {  	_ = 	snop  }
0x6d: {  	v5 =	vadd.f32 v6, v5;
	_ =	sdelay $0x1  }
0x6e: {  	v7 =	vadd.s32 $0x5, v2;
	[tilespmem:s30+$0x1A000] =	vst v5  }
0x6f: {  	v6 =	vadd.s32 $0x5, v1;
	v4 =	vld.idx.msk [tilespmem:v4+s2+$0x0], $0xffff  }
0x70: {  	v8 =	vadd.s32 $0x3, v2;
	v3 =	vld.idx.msk [tilespmem:v3+s2+$0x0], $0xffff  }
0x71: {  	v9 =	vadd.s32 $0x1, v2;
	v14 =	vld.idx.msk [tilespmem:v2+s2+$0x0], $0xffff  }
0x72: {  	v10 =	vadd.s32 $0x1, v1;
	v16 =	vld.idx.msk [tilespmem:v1+s2+$0x0], $0xffff  }
0x73: {  	v11 =	vadd.s32 $0x2, v2;
	v7 =	vld.idx.msk [tilespmem:v7+s2+$0x0], $0xffff  }
0x74: {  	v12 =	vadd.s32 $0x2, v1;
	v6 =	vld.idx.msk [tilespmem:v6+s2+$0x0], $0xffff  }
0x75: {  	v5 =	vadd.s32 $0x3, v1;
	v8 =	vld.idx.msk [tilespmem:v8+s2+$0x0], $0xffff  }
0x76: {  	v13 =	vadd.s32 $0x4, v2;
	v9 =	vld.idx.msk [tilespmem:v9+s2+$0x0], $0xffff  }
0x77: {  	v15 =	vadd.s32 $0x4, v1;
	v10 =	vld.idx.msk [tilespmem:v10+s2+$0x0], $0xffff  }
0x78: {  	v2 =	vadd.s32 $0x6, v2;
	v11 =	vld.idx.msk [tilespmem:v11+s2+$0x0], $0xffff  }
0x79: {  	v1 =	vadd.s32 $0x6, v1;
	v12 =	vld.idx.msk [tilespmem:v12+s2+$0x0], $0xffff  }
0x7a: {  	v5 =	vld.idx.msk [tilespmem:v5+s2+$0x0], $0xffff  }
0x7b: {  	v13 =	vld.idx.msk [tilespmem:v13+s2+$0x0], $0xffff  }
0x7c: {  	v15 =	vld.idx.msk [tilespmem:v15+s2+$0x0], $0xffff  }
0x7d: {  	v2 =	vld.idx.msk [tilespmem:v2+s2+$0x0], $0xffff;
	v14 =	vmul.bf16 v14, v16;
	v9 =	vmul.bf16 v9, v10  }
0x7e: {  	v1 =	vld.idx.msk [tilespmem:v1+s2+$0x0], $0xffff;
	v52 =	vmul.bf16 v11, v12  }
0x7f: {  	v5 =	vmul.bf16 v8, v5;
	v8 =	vadd.bf16 v0, v14;
	v9 =	vadd.bf16 v0, v9  }
0x80: {  	v6 =	vmul.bf16 v7, v6  }
0x81: {  	v7 =	vadd.bf16 v52, v8;
	v5 =	vadd.bf16 v5, v9;
	v8 =	vmul.bf16 v13, v15  }
0x82: {  	v3 =	vmul.bf16 v4, v3  }
0x83: {  	v1 =	vmul.bf16 v2, v1;
	v4 =	vadd.bf16 v8, v7;
	v5 =	vadd.bf16 v6, v5;
	_ =	sdelay $0x1  }
0x84: {  	v1 =	vadd.bf16 v1, v4;
	v2 =	vadd.bf16 v3, v5;
	_ =	sdelay $0x1  }
0x85: {  	v1 =	vadd.bf16 v2, v1;
	_ =	sdelay $0x1  }
0x86: {  	v2 =	vunpack.i.u.bf16.f32 v1;
	v1 =	vunpack.i.l.bf16.f32 v1  }
0x87: {  	s1 =	sadd.s32 s29, s6;
	v1 =	vadd.f32 v1, v2  }
0x88: {  	s1 =	sshrl.u32 s1, $0x3  }
0x89: {  	s1 =	sadd.s32 s3, s1;
	[tilespmem:s31+$0x1A000] =	vst v1  }
0x8a: {  	[hbm4b:s1+s2] =	stream.linear.scatter [tilespmem:s21], [sflag:$0x3], $0xFA0, $0x38;
	[tilespmem:$0x1C000] =	vst v63  }
0x8b: {  	_ =	swait.ge [sflag:s22], $0xFA0  }
0x8c: {  	[sflag:s22] =	ssyncset.done $0x0  }
0x8d: {  	[sflag:s22] =	ssyncadd.s32 $0xFFFFF060  }
0x8e: {  	s1 =	sadd.s32 @!p0 s29, s7;
	_ =	swait.ge [sflag:s22], $0xFA0  }
0x8f: {  	s30 =	simm.s32 @!p0 $0x0;
	s1 =	sshrl.u32 @!p0 s1, $0x3;
	[sflag:s22] =	ssyncset.done $0x0  }
0x90: {  	s31 =	simm.s32 @!p0 $0x17000;
	s1 =	sadd.s32 @!p0 s8, s1;
	[sflag:s22] =	ssyncadd.s32 $0xFFFFF060  }
0x91: {  	[tilespmem:s31], [sflag:$0x2] =	stream.linear.gather @!p0 [hbm4b:s1+s30], $0xFA0, $0x38;
	[tilespmem:$0x1C000] =	vst v63  }
0x92: {  	s1 =	sadd.s32 @!p0 $0x9C40, s1;
	s31 =	simm.s32 @!p0 $0x19000  }
0x93: {  	[tilespmem:s31], [sflag:$0x2] =	stream.linear.gather @!p0 [hbm4b:s1+s30], $0xFA0, $0x38;
	[tilespmem:$0x1C000] =	vst v63  }
0x94: {  	s1 =	simm.s32 @!p1 $0x4  }
0x95: {  	_ =	swait.ge @!p1 [sflag:s1], $0xFA0  }
0x96: {  	[sflag:s1] =	ssyncset.done @!p1 $0x0  }
0x97: {  	s30 =	simm.s32 $0x0;
	[sflag:s1] =	ssyncadd.s32 @!p1 $0xFFFFF060  }
0x98: {  	v1 =	vld [tilespmem:s30+$0x19000]  }
0x99: {  	v2 =	vld [tilespmem:s30+$0x17000];
	_ =	sdelay $0x3  }
0x9a: {  	v1 =	vmul.u32 $0x9, v1  }
0x9b: {  	v2 =	vmul.u32 $0x9, v2;
	_ =	sdelay $0x1  }
0x9c: {  	v3 =	vadd.s32 $0x7, v1  }
0x9d: {  	v4 =	vadd.s32 $0x7, v2  }
0x9e: {  	v5 =	vadd.s32 $0x5, v1  }
0x9f: {  	v6 =	vadd.s32 $0x5, v2;
	v58 =	vld.idx.msk [tilespmem:v1+s2+$0x0], $0xffff  }
0xa0: {  	v7 =	vadd.s32 $0x3, v1;
	v60 =	vld.idx.msk [tilespmem:v2+s2+$0x0], $0xffff  }
0xa1: {  	v8 =	vadd.s32 $0x3, v2;
	v3 =	vld.idx.msk [tilespmem:v3+s2+$0x0], $0xffff  }
0xa2: {  	v53 =	vadd.s32 $0x1, v1;
	v4 =	vld.idx.msk [tilespmem:v4+s2+$0x0], $0xffff  }
0xa3: {  	v54 =	vadd.s32 $0x1, v2;
	v5 =	vld.idx.msk [tilespmem:v5+s2+$0x0], $0xffff  }
0xa4: {  	v55 =	vadd.s32 $0x2, v1;
	v6 =	vld.idx.msk [tilespmem:v6+s2+$0x0], $0xffff  }
0xa5: {  	v56 =	vadd.s32 $0x2, v2;
	v7 =	vld.idx.msk [tilespmem:v7+s2+$0x0], $0xffff  }
0xa6: {  	v57 =	vadd.s32 $0x4, v1;
	v8 =	vld.idx.msk [tilespmem:v8+s2+$0x0], $0xffff  }
0xa7: {  	v59 =	vadd.s32 $0x4, v2;
	v9 =	vld.idx.msk [tilespmem:v53+s2+$0x0], $0xffff  }
0xa8: {  	v1 =	vadd.s32 $0x6, v1;
	v10 =	vld.idx.msk [tilespmem:v54+s2+$0x0], $0xffff  }
0xa9: {  	v2 =	vadd.s32 $0x6, v2;
	v11 =	vld.idx.msk [tilespmem:v55+s2+$0x0], $0xffff  }
0xaa: {  	v12 =	vld.idx.msk [tilespmem:v56+s2+$0x0], $0xffff  }
0xab: {  	v13 =	vld.idx.msk [tilespmem:v57+s2+$0x0], $0xffff  }
0xac: {  	v15 =	vld.idx.msk [tilespmem:v59+s2+$0x0], $0xffff  }
0xad: {  	v1 =	vld.idx.msk [tilespmem:v1+s2+$0x0], $0xffff;
	v14 =	vmul.bf16 v58, v60;
	v9 =	vmul.bf16 v9, v10  }
0xae: {  	v2 =	vld.idx.msk [tilespmem:v2+s2+$0x0], $0xffff;
	v7 =	vmul.bf16 v7, v8  }
0xaf: {  	v61 =	vmul.bf16 v11, v12;
	v8 =	vadd.bf16 v0, v14;
	v9 =	vadd.bf16 v0, v9  }
0xb0: {  	s31 =	simm.s32 $0x10;
	v5 =	vmul.bf16 v5, v6  }
0xb1: {  	v6 =	vld [tilespmem:s31+$0x19000];
	v62 =	vmul.bf16 v13, v15;
	v8 =	vadd.bf16 v61, v8;
	v7 =	vadd.bf16 v7, v9  }
0xb2: {  	v63 =	vld [tilespmem:s31+$0x17000];
	v3 =	vmul.bf16 v3, v4  }
0xb3: {  	v1 =	vmul.bf16 v1, v2;
	v4 =	vadd.bf16 v62, v8;
	v5 =	vadd.bf16 v5, v7;
	_ =	sdelay $0x1  }
0xb4: {  	v4 =	vadd.bf16 v1, v4;
	v3 =	vadd.bf16 v3, v5  }
0xb5: {  	v2 =	vmul.u32 $0x9, v6  }
0xb6: {  	v1 =	vmul.u32 $0x9, v63;
	v6 =	vadd.bf16 v3, v4  }
0xb7: {  	v4 =	vadd.s32 $0x7, v2  }
0xb8: {  	s1 =	simm.s32 $0x80;
	v3 =	vadd.s32 $0x7, v1;
	v5 =	vunpack.i.u.bf16.f32 v6;
	v6 =	vunpack.i.l.bf16.f32 v6  }
.LBB2_8:
0xb9: {  	p0 =	sne.s32 s1, $0x3E40;
	v7 =	vadd.s32 $0x5, v2;
	v5 =	vadd.f32 v6, v5  }
0xba: {  	v6 =	vadd.s32 $0x5, v1  }
0xbb: {  	v8 =	vadd.s32 $0x3, v2;
	[tilespmem:s30+$0x1B000] =	vst v5;
	s30 =	smov.u32 s31  }
0xbc: {  	v5 =	vadd.s32 $0x3, v1;
	v4 =	vld.idx.msk [tilespmem:v4+s2+$0x0], $0xffff  }
0xbd: {  	v9 =	vadd.s32 $0x1, v2;
	v3 =	vld.idx.msk [tilespmem:v3+s2+$0x0], $0xffff  }
0xbe: {  	v10 =	vadd.s32 $0x1, v1;
	v7 =	vld.idx.msk [tilespmem:v7+s2+$0x0], $0xffff  }
0xbf: {  	v6 =	vld.idx.msk [tilespmem:v6+s2+$0x0], $0xffff  }
0xc0: {  	v8 =	vld.idx.msk [tilespmem:v8+s2+$0x0], $0xffff  }
0xc1: {  	v11 =	vadd.s32 $0x2, v2;
	v5 =	vld.idx.msk [tilespmem:v5+s2+$0x0], $0xffff  }
0xc2: {  	v12 =	vadd.s32 $0x2, v1;
	v9 =	vld.idx.msk [tilespmem:v9+s2+$0x0], $0xffff  }
0xc3: {  	v13 =	vadd.s32 $0x4, v2;
	v10 =	vld.idx.msk [tilespmem:v10+s2+$0x0], $0xffff  }
0xc4: {  	v15 =	vadd.s32 $0x4, v1;
	v14 =	vld.idx.msk [tilespmem:v2+s2+$0x0], $0xffff  }
0xc5: {  	v2 =	vadd.s32 $0x6, v2;
	v16 =	vld.idx.msk [tilespmem:v1+s2+$0x0], $0xffff  }
0xc6: {  	v1 =	vadd.s32 $0x6, v1;
	v11 =	vld.idx.msk [tilespmem:v11+s2+$0x0], $0xffff  }
0xc7: {  	v12 =	vld.idx.msk [tilespmem:v12+s2+$0x0], $0xffff  }
0xc8: {  	v13 =	vld.idx.msk [tilespmem:v13+s2+$0x0], $0xffff  }
0xc9: {  	v15 =	vld.idx.msk [tilespmem:v15+s2+$0x0], $0xffff  }
0xca: {  	v2 =	vld.idx.msk [tilespmem:v2+s2+$0x0], $0xffff  }
0xcb: {  	v9 =	vmul.bf16 v9, v10;
	v14 =	vmul.bf16 v14, v16;
	v1 =	vld.idx.msk [tilespmem:v1+s2+$0x0], $0xffff  }
0xcc: {  	v5 =	vmul.bf16 v8, v5  }
0xcd: {  	v9 =	vadd.bf16 v0, v9;
	v8 =	vadd.bf16 v0, v14;
	v10 =	vmul.bf16 v11, v12  }
0xce: {  	s31 =	sshra.s32 s1, $0x2;
	v6 =	vmul.bf16 v7, v6  }
0xcf: {  	v5 =	vadd.bf16 v5, v9;
	v8 =	vadd.bf16 v10, v8;
	v9 =	vmul.bf16 v13, v15;
	v7 =	vld [tilespmem:s31+$0x19000]  }
0xd0: {  	v3 =	vmul.bf16 v4, v3;
	v10 =	vld [tilespmem:s31+$0x17000]  }
0xd1: {  	v5 =	vadd.bf16 v6, v5;
	v4 =	vadd.bf16 v9, v8;
	v1 =	vmul.bf16 v2, v1;
	_ =	sdelay $0x1  }
.Ltmp3:
0xd2: {  	v3 =	vadd.bf16 v3, v5;
	v4 =	vadd.bf16 v1, v4;
	(pc) =	sbr.rel @p0 .LBB2_8-.Ltmp3, $4  }
0xd3: {  	v2 =	vmul.u32 $0x9, v7  }
0xd4: {  	v6 =	vadd.bf16 v3, v4;
	v1 =	vmul.u32 $0x9, v10  }
0xd5: {  	v4 =	vadd.s32 $0x7, v2  }
0xd6: {  	s1 =	sadd.s32 $0x40, s1;
	v5 =	vunpack.i.u.bf16.f32 v6;
	v6 =	vunpack.i.l.bf16.f32 v6;
	v3 =	vadd.s32 $0x7, v1  }
0xd7: {  	_ = 	snop  }
0xd8: {  	v5 =	vadd.f32 v6, v5;
	_ =	sdelay $0x1  }
0xd9: {  	v7 =	vadd.s32 $0x5, v2;
	[tilespmem:s30+$0x1B000] =	vst v5  }
0xda: {  	v57 =	vadd.s32 $0x5, v1;
	v4 =	vld.idx.msk [tilespmem:v4+s2+$0x0], $0xffff  }
0xdb: {  	v8 =	vadd.s32 $0x3, v2;
	v3 =	vld.idx.msk [tilespmem:v3+s2+$0x0], $0xffff  }
0xdc: {  	v58 =	vadd.s32 $0x3, v1;
	v14 =	vld.idx.msk [tilespmem:v2+s2+$0x0], $0xffff  }
0xdd: {  	v9 =	vadd.s32 $0x1, v2;
	v16 =	vld.idx.msk [tilespmem:v1+s2+$0x0], $0xffff  }
0xde: {  	v10 =	vadd.s32 $0x1, v1;
	v7 =	vld.idx.msk [tilespmem:v7+s2+$0x0], $0xffff  }
0xdf: {  	v11 =	vadd.s32 $0x2, v2;
	v6 =	vld.idx.msk [tilespmem:v57+s2+$0x0], $0xffff  }
0xe0: {  	v12 =	vadd.s32 $0x2, v1;
	v8 =	vld.idx.msk [tilespmem:v8+s2+$0x0], $0xffff  }
0xe1: {  	v13 =	vadd.s32 $0x4, v2;
	v5 =	vld.idx.msk [tilespmem:v58+s2+$0x0], $0xffff  }
0xe2: {  	v15 =	vadd.s32 $0x4, v1;
	v9 =	vld.idx.msk [tilespmem:v9+s2+$0x0], $0xffff  }
0xe3: {  	v2 =	vadd.s32 $0x6, v2;
	v10 =	vld.idx.msk [tilespmem:v10+s2+$0x0], $0xffff  }
0xe4: {  	v1 =	vadd.s32 $0x6, v1;
	v11 =	vld.idx.msk [tilespmem:v11+s2+$0x0], $0xffff  }
0xe5: {  	v12 =	vld.idx.msk [tilespmem:v12+s2+$0x0], $0xffff  }
0xe6: {  	v13 =	vld.idx.msk [tilespmem:v13+s2+$0x0], $0xffff  }
0xe7: {  	v15 =	vld.idx.msk [tilespmem:v15+s2+$0x0], $0xffff  }
0xe8: {  	v2 =	vld.idx.msk [tilespmem:v2+s2+$0x0], $0xffff;
	v14 =	vmul.bf16 v14, v16;
	v9 =	vmul.bf16 v9, v10  }
0xe9: {  	v1 =	vld.idx.msk [tilespmem:v1+s2+$0x0], $0xffff;
	v5 =	vmul.bf16 v8, v5  }
0xea: {  	v59 =	vadd.bf16 v0, v14;
	v60 =	vmul.bf16 v11, v12;
	v9 =	vadd.bf16 v0, v9  }
0xeb: {  	v6 =	vmul.bf16 v7, v6  }
0xec: {  	v62 =	vmul.bf16 v13, v15;
	v61 =	vadd.bf16 v60, v59;
	v5 =	vadd.bf16 v5, v9  }
0xed: {  	v3 =	vmul.bf16 v4, v3  }
0xee: {  	v1 =	vmul.bf16 v2, v1;
	v63 =	vadd.bf16 v62, v61;
	v5 =	vadd.bf16 v6, v5;
	_ =	sdelay $0x1  }
0xef: {  	v1 =	vadd.bf16 v1, v63;
	v2 =	vadd.bf16 v3, v5;
	_ =	sdelay $0x1  }
0xf0: {  	v1 =	vadd.bf16 v2, v1  }
0xf1: {  	p0 =	sne.s32 s28, $0x14  }
.Ltmp4:
0xf2: {  	v2 =	vunpack.i.u.bf16.f32 v1;
	v1 =	vunpack.i.l.bf16.f32 v1;
	(pc) =	sbr.rel @p0 .LBB2_2-.Ltmp4, $4  }
0xf3: {  	s1 =	sadd.s32 s29, s9;
	v1 =	vadd.f32 v1, v2  }
0xf4: {  	s1 =	sshrl.u32 s1, $0x3  }
0xf5: {  	s1 =	sadd.s32 s3, s1;
	[tilespmem:s31+$0x1B000] =	vst v1  }
0xf6: {  	[hbm4b:s1+s2] =	stream.linear.scatter [tilespmem:s23], [sflag:$0x4], $0xFA0, $0x38;
	[tilespmem:$0x1C000] =	vst v63  }
0xf7: {  	s26 =	sadd.s32 $0x1, s26  }
0xf8: {  	_ =	swait.ge [sflag:s24], $0xFA0;
	p0 =	sne.s32 s26, s10  }
.Ltmp5:
0xf9: {  	[sflag:s24] =	ssyncset.done $0x0;
	(pc) =	sbr.rel @p0 .LBB2_1-.Ltmp5, $4  }
0xfa: {  	[sflag:s24] =	ssyncadd.s32 $0xFFFFF060  }
0xfb: {  	_ =	swait.ge [sflag:s25], $0xFA0  }
0xfc: {  	[sflag:s25] =	ssyncset.done $0x0  }
0xfd: {  	[sflag:s25] =	ssyncadd.s32 $0xFFFFF060  }
0xfe: {  	_ =	sfence.sel $0x180000  }
0xff: {  	[bflag:$0x0] =	sbarrier.arrive $0xFFFF  }
0x100: {  	_ =	strace $0x90000047  }
0x101: {  	[bflag:$0x2] =	sbarrier.arrive $0xFFFF  }
0x102: {  	p0 =	sne.s32 s0, $0x0;
	s0 =	rddreg [dreg:$0x1]  }
0x103: {  	s0 =	sadd.s32 @!p0 $0x100000, s0  }
0x104: {  	[sflag:s0] =	ssyncadd.tile.s32 @!p0 $0x1;
	_ =	shalt  }
.Lfunc_end2:
_tile_overlayer_lowered:
.L_overlay_start_2:
0x105: {  	(tag) =	ssettag $0x2  }
0x106: {  	s0 =	rddreg [dreg:$0x0];
	s2 =	stileid.u32  }
0x107: {  	s1 =	rddreg [dreg:$0x1];
	p0 =	sne.s32 s2, $0x0  }
0x108: {  	s3 =	rddreg [dreg:$0x2];
	[bflag:$0x3] =	sbarrier.arrive $0xFFFF;
	s2 =	simm.s32 @!p0 $0x1C05  }
0x109: {  	[timem:s3], [sflag:s2] =	dma.local @!p0 [hbm:s0], s1  }
0x10a: {  	s0 =	simm.s32 @!p0 $0x5  }
0x10b: {  	_ =	swait.ge @!p0 [sflag:s0], s1  }
0x10c: {  	s1 =	ssub.s32 @!p0 $0x0, s1;
	[sflag:s0] =	ssyncset.done @!p0 $0x0  }
0x10d: {  	[sflag:s0] =	ssyncadd.s32 @!p0 s1  }
0x10e: {  	[bflag:$0x3] =	sbarrier.arrive $0xFFFF  }
0x10f: {  	_ =	shalt  }

</sc_bundles>
